<compile_context>
chip_gen: v7x
topology: tpu7x:2x2x1
jax: 0.10.2.dev20260603
libtpu: 0.0.44.dev20260713+nightly
codegen_flags: <defaults>
</compile_context>

<pallas_src>
import functools

import jax
import jax.numpy as jnp
from jax import lax
from jax.experimental import pallas as pl
from jax.experimental.pallas import tpu as pltpu
from jax.experimental.pallas import tpu_sc as plsc

_PERCENTILE = 99.0 / 100.0
_GAMMA = 0.95
_Q_MAX = float(2 ** (8 - 1) - 1) * 2.0
_INIT_ACT_MIN = -100.0
_INIT_ACT_MAX = 100.0

_N = 4096 * 4096
_K_LO = round((1.0 - _PERCENTILE) * _N) - 1
_K_HI = round(_PERCENTILE * _N) - 1

_NC = 2
_NS = 16
_L = 16
_NW = _NC * _NS

_BINS = 65536
_CHUNK = 16384

_MIN32 = -(2 ** 31)


def _key16(xv):
    xi = lax.bitcast_convert_type(xv, jnp.int32)
    m = lax.shift_right_arithmetic(xi, 31)
    return lax.bitwise_xor(xi, lax.bitwise_or(m, jnp.int32(_MIN32)))


_sc_mesh = plsc.VectorSubcoreMesh(
    core_axis_name="c", subcore_axis_name="s", num_cores=_NC, num_subcores=_NS
)


@functools.partial(
    pl.kernel,
    out_type=jax.ShapeDtypeStruct((_NW, _BINS), jnp.int32),
    mesh=_sc_mesh,
    scratch_types=[
        pltpu.VMEM((_CHUNK,), jnp.float32),
        pltpu.VMEM((_BINS,), jnp.int32),
    ],
    compiler_params=pltpu.CompilerParams(needs_layout_passes=False),
)
def _sc_hist_hi(x_hbm, out_hbm, buf, hist):
    wid = lax.axis_index("s") * _NC + lax.axis_index("c")
    per_w = _N // _NW
    base = wid * per_w

    zeros = jnp.zeros((_L,), jnp.int32)

    def zero_body(i, carry):
        hist[pl.ds(i * _L, _L)] = zeros
        return carry

    lax.fori_loop(0, _BINS // _L, zero_body, 0)

    ones = jnp.ones((_L,), jnp.int32)

    def chunk_body(ci, carry):
        pltpu.sync_copy(x_hbm.at[pl.ds(base + ci * _CHUNK, _CHUNK)], buf)

        def vec_body(j, c2):
            xv = buf[pl.ds(j * _L, _L)]
            bins = lax.shift_right_logical(_key16(xv), 16)
            plsc.addupdate_scatter(hist, [bins], ones)
            return c2

        lax.fori_loop(0, _CHUNK // _L, vec_body, 0)
        return carry

    lax.fori_loop(0, per_w // _CHUNK, chunk_body, 0)
    pltpu.sync_copy(hist, out_hbm.at[wid])


@functools.partial(
    pl.kernel,
    out_type=jax.ShapeDtypeStruct((_NC, _NS, _BINS), jnp.int32),
    mesh=_sc_mesh,
    scratch_types=[
        pltpu.VMEM((_CHUNK,), jnp.float32),
        pltpu.VMEM((_BINS,), jnp.int32),
        pltpu.VMEM((8, _L), jnp.int32),
    ],
    compiler_params=pltpu.CompilerParams(needs_layout_passes=False),
)
def _sc_hist_lo(x_hbm, sel_hbm, out_hbm, buf, hist, sel_v):
    c = lax.axis_index("c")
    s = lax.axis_index("s")
    per_s = _N // _NS
    base = s * per_s

    pltpu.sync_copy(sel_hbm, sel_v)
    b_cand = jnp.where(jnp.broadcast_to(c == 0, (_L,)), sel_v[0, :], sel_v[1, :])

    zeros = jnp.zeros((_L,), jnp.int32)

    def zero_body(i, carry):
        hist[pl.ds(i * _L, _L)] = zeros
        return carry

    lax.fori_loop(0, _BINS // _L, zero_body, 0)

    ones = jnp.ones((_L,), jnp.int32)
    lo_mask = jnp.int32(0xFFFF)

    def chunk_body(ci, carry):
        pltpu.sync_copy(x_hbm.at[pl.ds(base + ci * _CHUNK, _CHUNK)], buf)

        def vec_body(j, c2):
            xv = buf[pl.ds(j * _L, _L)]
            key = _key16(xv)
            hi = lax.shift_right_logical(key, 16)
            lo = lax.bitwise_and(key, lo_mask)
            msk = hi == b_cand
            plsc.addupdate_scatter(
                hist, [jnp.where(msk, lo, 0)], ones, mask=msk
            )
            return c2

        lax.fori_loop(0, _CHUNK // _L, vec_body, 0)
        return carry

    lax.fori_loop(0, per_s // _CHUNK, chunk_body, 0)
    pltpu.sync_copy(hist, out_hbm.at[c, s])


def _cumsum_lanes(v):
    n = v.shape[-1]
    lane = lax.broadcasted_iota(jnp.int32, v.shape, 1)
    shift = 1
    while shift < n:
        rolled = pltpu.roll(v, shift, 1)
        v = v + jnp.where(lane >= shift, rolled, 0)
        shift *= 2
    return v


def _tc_select_hi_body(h_ref, o_ref):
    h = h_ref[...]
    tot = jnp.sum(h, axis=0, keepdims=True)
    cum = _cumsum_lanes(tot)

    t_lo = jnp.int32(_K_LO + 1)
    t_hi = jnp.int32(_K_HI + 1)
    below_lo = cum < t_lo
    below_hi = cum < t_hi
    b_lo = jnp.sum(jnp.where(below_lo, 1, 0), axis=1, keepdims=True)
    b_hi = jnp.sum(jnp.where(below_hi, 1, 0), axis=1, keepdims=True)
    cb_lo = jnp.max(jnp.where(below_lo, cum, 0), axis=1, keepdims=True)
    cb_hi = jnp.max(jnp.where(below_hi, cum, 0), axis=1, keepdims=True)

    row = lax.broadcasted_iota(jnp.int32, (8, 128), 0)
    out = jnp.where(
        row == 0,
        b_lo,
        jnp.where(row == 1, b_hi, jnp.where(row == 2, cb_lo, cb_hi)),
    )
    o_ref[...] = out


_tc_select_hi = pl.pallas_call(
    _tc_select_hi_body,
    out_shape=jax.ShapeDtypeStruct((8, 128), jnp.int32),
)


def _tc_select_lo_body(h_ref, sel_ref, o_ref):
    h0 = jnp.sum(h_ref[0], axis=0, keepdims=True)
    h1 = jnp.sum(h_ref[1], axis=0, keepdims=True)
    cum0 = _cumsum_lanes(h0)
    cum1 = _cumsum_lanes(h1)

    b_lo = sel_ref[0:1, 0:1]
    b_hi = sel_ref[1:2, 0:1]
    cb_lo = sel_ref[2:3, 0:1]
    cb_hi = sel_ref[3:4, 0:1]

    t0 = jnp.int32(_K_LO + 1) - cb_lo
    t1 = jnp.int32(_K_HI + 1) - cb_hi
    l0 = jnp.sum(jnp.where(cum0 < t0, 1, 0), axis=1, keepdims=True)
    l1 = jnp.sum(jnp.where(cum1 < t1, 1, 0), axis=1, keepdims=True)

    k0 = lax.bitwise_or(lax.shift_left(b_lo, 16), l0)
    k1 = lax.bitwise_or(lax.shift_left(b_hi, 16), l1)

    def _unmap(k):
        bits = jnp.where(
            k < 0, lax.bitwise_xor(k, jnp.int32(_MIN32)), lax.bitwise_not(k)
        )
        return lax.bitcast_convert_type(bits, jnp.float32)

    q_lo = _unmap(k0)
    q_hi = _unmap(k1)
    act_min = jnp.float32(_INIT_ACT_MIN * _GAMMA) + q_lo * jnp.float32(1.0 - _GAMMA)
    act_max = jnp.float32(_INIT_ACT_MAX * _GAMMA) + q_hi * jnp.float32(1.0 - _GAMMA)

    row = lax.broadcasted_iota(jnp.int32, (8, 128), 0)
    o_ref[...] = jnp.where(row == 0, act_min, jnp.where(row == 1, act_max, 0.0))


_tc_select_lo = pl.pallas_call(
    _tc_select_lo_body,
    out_shape=jax.ShapeDtypeStruct((8, 128), jnp.float32),
)


_QROWS = 256


def _tc_quantize_body(x_ref, p_ref, o_ref):
    act_min = p_ref[0:1, 0:1]
    act_max = p_ref[1:2, 0:1]
    rng = act_max - act_min
    x = x_ref[...]
    y = jnp.round((x - act_min) * (jnp.float32(_Q_MAX) / rng))
    y = y * (rng / jnp.float32(_Q_MAX)) + act_min
    clamp_min = act_min - rng * jnp.float32(0.5 / _Q_MAX)
    clamp_max = act_max + rng * jnp.float32(0.5 / _Q_MAX)
    o_ref[...] = jnp.clip(y, clamp_min, clamp_max)


_tc_quantize = pl.pallas_call(
    _tc_quantize_body,
    grid=(4096 // _QROWS,),
    in_specs=[
        pl.BlockSpec((_QROWS, 4096), lambda i: (i, 0)),
        pl.BlockSpec((8, 128), lambda i: (0, 0)),
    ],
    out_specs=pl.BlockSpec((_QROWS, 4096), lambda i: (i, 0)),
    out_shape=jax.ShapeDtypeStruct((4096, 4096), jnp.float32),
)


def kernel(x):
    xf = x.reshape(-1)
    hist_hi = _sc_hist_hi(xf)
    sel = _tc_select_hi(hist_hi)
    hist_lo = _sc_hist_lo(xf, sel[:, :_L])
    params = _tc_select_lo(hist_lo, sel)
    return _tc_quantize(x, params)

# --- scband reference (transcript-rebuilt; emitter-appended) ---
"""Pipeline reference for scband-histogram-quantizer-1614907703432 (READ-ONLY COPY).

The authoritative reference and input builder live on the scoring server;
editing this copy changes nothing except your own understanding.
"""

import jax, jax.numpy as jnp
import numpy as np

PERCENTILE = 99.0 / 100.0
GAMMA = 0.95
N_BITS = 8
Q_MAX = float(2 ** (N_BITS - 1) - 1) * 2.0
INIT_ACT_MIN = -100.0
INIT_ACT_MAX = 100.0


def setup_inputs(seed: int = 0) -> dict:
    key = jax.random.key(seed)
    x = jax.random.normal(key, (4096, 4096), dtype=jnp.float32)
    return {"x": x}


def reference(x):
    # Module is in training mode by default: update EMA min/max from quantiles
    n = x.size
    xs = jnp.sort(x.reshape(-1))
    k_lo = round((1.0 - PERCENTILE) * n) - 1
    k_hi = round(PERCENTILE * n) - 1
    q_lo = xs[k_lo]
    q_hi = xs[k_hi]
    act_min = INIT_ACT_MIN * GAMMA + q_lo * (1.0 - GAMMA)
    act_max = INIT_ACT_MAX * GAMMA + q_hi * (1.0 - GAMMA)
    # quantize (x_min is not None branch)
    y = (x - act_min) * (Q_MAX / (act_max - act_min))
    y = jnp.round(y)
    y = y * ((act_max - act_min) / Q_MAX) + act_min
    clamp_min = act_min - (act_max - act_min) * (0.5 / Q_MAX)
    clamp_max = act_max + (act_max - act_min) * (0.5 / Q_MAX)
    return jnp.clip(y, clamp_min, clamp_max)

if __name__ == "__main__":
    import jax
    _d = setup_inputs()
    print(jax.jit(kernel)(*tuple(_d.values())))

</pallas_src>

<mosaic_0001>
#map = affine_map<(d0, d1) -> (0)>
#map1 = affine_map<(d0, d1) -> (0, 0)>
#map2 = affine_map<(d0, d1) -> (0, 0, 0)>
module attributes {stable_mosaic.version = 14 : i64} {
  func.func @_sc_hist_lo(%arg0: i32, %arg1: i32, %arg2: memref<16777216xf32, #tpu.memory_space<hbm>>, %arg3: memref<8x16xi32, #tpu.memory_space<hbm>>, %arg4: memref<2x16x65536xi32, #tpu.memory_space<hbm>>, %arg5: memref<16384xf32, #tpu.memory_space<vmem>>, %arg6: memref<65536xi32, #tpu.memory_space<vmem>>, %arg7: memref<8x16xi32, #tpu.memory_space<vmem>>) attributes {dimension_semantics = [#tpu.dimension_semantics<core_parallel>, #tpu.dimension_semantics<subcore_parallel>], iteration_bounds = array<i64: 2, 16>, scalar_prefetch = 0 : i64, scratch_operands = 3 : i64, tpu.core_type = #tpu.core_type<sc_vector_subcore>, window_params = [{transform_indices = #map}, {transform_indices = #map1}, {transform_indices = #map2}]} {
    %mul3A = arith.constant 1048576 : i32
    %mul3A_0 = arith.muli %arg1, %mul3A : i32
    "tpu.region"() ({
      %run_scoped3A = tpu.sem_alloc : memref<!tpu.dma_semaphore, #tpu.memory_space<semaphore_mem>>
      tpu.enqueue_dma source(%arg3 : memref<8x16xi32, #tpu.memory_space<hbm>>) target(%arg7 : memref<8x16xi32, #tpu.memory_space<vmem>>) target_semaphore(%run_scoped3A : memref<!tpu.dma_semaphore, #tpu.memory_space<semaphore_mem>>)
      tpu.wait_dma2 semaphore(%run_scoped3A : memref<!tpu.dma_semaphore, #tpu.memory_space<semaphore_mem>>) src(%arg3 : memref<8x16xi32, #tpu.memory_space<hbm>>) dst(%arg7 : memref<8x16xi32, #tpu.memory_space<vmem>>)
      tpu.yield
    }) : () -> ()
    %eq3A = arith.constant 0 : i32
    %eq3A_1 = arith.cmpi eq, %arg0, %eq3A : i32
    %broadcast_in_dim3A = vector.broadcast %eq3A_1 : i1 to vector<16xi1>
    %get3A = arith.constant 0 : i32
    %get3A_2 = arith.index_cast %get3A : i32 to index
    %get3A_3 = arith.constant 0 : index
    %get3A_4 = tpu.vector_load %arg7[%get3A_2, %get3A_3] {strides = array<i32>} : memref<8x16xi32, #tpu.memory_space<vmem>>, vector<16xi32>,
    %get3A_5 = arith.constant 1 : i32
    %get3A_6 = arith.index_cast %get3A_5 : i32 to index
    %get3A_7 = arith.constant 0 : index
    %get3A_8 = tpu.vector_load %arg7[%get3A_6, %get3A_7] {strides = array<i32>} : memref<8x16xi32, #tpu.memory_space<vmem>>, vector<16xi32>,
    %select_n3A = arith.select %broadcast_in_dim3A, %get3A_4, %get3A_8 : vector<16xi1>, vector<16xi32>
    %broadcast_in_dim3A_9 = arith.constant 0 : i32
    %broadcast_in_dim3A_10 = vector.broadcast %broadcast_in_dim3A_9 : i32 to vector<16xi32>
    %scan3A = arith.constant 0 : i32
    %scan3A_11 = arith.constant 0 : i32
    %scan3A_12 = arith.constant 4096 : i32
    %scan3A_13 = arith.addi %scan3A_11, %scan3A_12 : i32
    %scan3A_14 = arith.constant 1 : i32
    scf.for %scan3A_25 = %scan3A_11 to %scan3A_13 step %scan3A_14  : i32 {
      %mul3A_26 = arith.constant 16 : i32
      %mul3A_27 = arith.muli %scan3A_25, %mul3A_26 : i32
      %swap3A = arith.index_cast %mul3A_27 : i32 to index
      %swap3A_28 = tpu.vector_load %arg6[%swap3A] {strides = array<i32>} : memref<65536xi32, #tpu.memory_space<vmem>>, vector<16xi32>,
      tpu.vector_store %arg6[%swap3A], %broadcast_in_dim3A_10 {strides = array<i32>} : memref<65536xi32, #tpu.memory_space<vmem>>, vector<16xi32>,
    }
    %scan3A_15 = arith.constant 4096 : i32
    %broadcast_in_dim3A_16 = arith.constant 1 : i32
    %broadcast_in_dim3A_17 = vector.broadcast %broadcast_in_dim3A_16 : i32 to vector<16xi32>
    %scan3A_18 = arith.constant 0 : i32
    %scan3A_19 = arith.constant 65535 : i32
    %scan3A_20 = arith.constant 0 : i32
    %scan3A_21 = arith.constant 64 : i32
    %scan3A_22 = arith.addi %scan3A_20, %scan3A_21 : i32
    %scan3A_23 = arith.constant 1 : i32
    scf.for %scan3A_25 = %scan3A_20 to %scan3A_22 step %scan3A_23  : i32 {
      %mul3A_26 = arith.constant 16384 : i32
      %mul3A_27 = arith.muli %scan3A_25, %mul3A_26 : i32
      %add3A = arith.addi %mul3A_0, %mul3A_27 : i32
      "tpu.region"() ({
        %run_scoped3A = tpu.sem_alloc : memref<!tpu.dma_semaphore, #tpu.memory_space<semaphore_mem>>
        %dma_start3A = tpu.memref_slice %arg2[%add3A] : memref<16777216xf32, #tpu.memory_space<hbm>> -> memref<16384xf32, #tpu.memory_space<hbm>>
        %dma_start3A_34 = tpu.memref_slice %arg2[%add3A] : memref<16777216xf32, #tpu.memory_space<hbm>> -> memref<16384xf32, #tpu.memory_space<hbm>>
        tpu.enqueue_dma source(%dma_start3A_34 : memref<16384xf32, #tpu.memory_space<hbm>>) target(%arg5 : memref<16384xf32, #tpu.memory_space<vmem>>) target_semaphore(%run_scoped3A : memref<!tpu.dma_semaphore, #tpu.memory_space<semaphore_mem>>)
        %dma_wait3A = tpu.memref_slice %arg2[%add3A] : memref<16777216xf32, #tpu.memory_space<hbm>> -> memref<16384xf32, #tpu.memory_space<hbm>>
        %dma_wait3A_35 = tpu.memref_slice %arg2[%add3A] : memref<16777216xf32, #tpu.memory_space<hbm>> -> memref<16384xf32, #tpu.memory_space<hbm>>
        tpu.wait_dma2 semaphore(%run_scoped3A : memref<!tpu.dma_semaphore, #tpu.memory_space<semaphore_mem>>) src(%dma_wait3A_35 : memref<16384xf32, #tpu.memory_space<hbm>>) dst(%arg5 : memref<16384xf32, #tpu.memory_space<vmem>>)
        tpu.yield
      }) : () -> ()
      %scan3A_28 = arith.constant 0 : i32
      %scan3A_29 = arith.constant 0 : i32
      %scan3A_30 = arith.constant 1024 : i32
      %scan3A_31 = arith.addi %scan3A_29, %scan3A_30 : i32
      %scan3A_32 = arith.constant 1 : i32
      scf.for %scan3A_34 = %scan3A_29 to %scan3A_31 step %scan3A_32  : i32 {
        %mul3A_35 = arith.constant 16 : i32
        %mul3A_36 = arith.muli %scan3A_34, %mul3A_35 : i32
        %get3A_37 = arith.index_cast %mul3A_36 : i32 to index
        %get3A_38 = tpu.vector_load %arg5[%get3A_37] {strides = array<i32>} : memref<16384xf32, #tpu.memory_space<vmem>>, vector<16xf32>,
        %bitcast_convert_type3A = tpu.bitcast %get3A_38 : vector<16xf32> -> vector<16xi32>
        %shift_right_arithmetic3A = arith.constant 31 : i32
        %shift_right_arithmetic3A_39 = vector.broadcast %shift_right_arithmetic3A : i32 to vector<16xi32>
        %shift_right_arithmetic3A_40 = arith.shrsi %bitcast_convert_type3A, %shift_right_arithmetic3A_39 : vector<16xi32>
        %or3A = arith.constant -2147483648 : i32
        %or3A_41 = vector.broadcast %or3A : i32 to vector<16xi32>
        %or3A_42 = arith.ori %shift_right_arithmetic3A_40, %or3A_41 : vector<16xi32>
        %xor3A = arith.xori %bitcast_convert_type3A, %or3A_42 : vector<16xi32>
        %shift_right_logical3A = arith.constant 16 : i32
        %shift_right_logical3A_43 = vector.broadcast %shift_right_logical3A : i32 to vector<16xi32>
        %shift_right_logical3A_44 = arith.shrui %xor3A, %shift_right_logical3A_43 : vector<16xi32>
        %and3A = vector.broadcast %scan3A_19 : i32 to vector<16xi32>
        %and3A_45 = arith.andi %xor3A, %and3A : vector<16xi32>
        %eq3A_46 = arith.cmpi eq, %shift_right_logical3A_44, %select_n3A : vector<16xi32>
        %jit3A = arith.constant 0 : i32
        %broadcast_in_dim3A_47 = vector.broadcast %jit3A : i32 to vector<16xi32>
        %select_n3A_48 = arith.select %eq3A_46, %and3A_45, %broadcast_in_dim3A_47 : vector<16xi1>, vector<16xi32>
        tpu.vector_store_idx %arg6[%select_n3A_48], %broadcast_in_dim3A_17 masked %eq3A_46 {add = true} : memref<65536xi32, #tpu.memory_space<vmem>>[vector<16xi32>], vector<16xi32>, vector<16xi1>
      }
      %scan3A_33 = arith.constant 1024 : i32
    }
    %scan3A_24 = arith.constant 64 : i32
    "tpu.region"() ({
      %run_scoped3A = tpu.sem_alloc : memref<!tpu.dma_semaphore, #tpu.memory_space<semaphore_mem>>
      %dma_start3A = arith.constant 0 : i32
      %dma_start3A_25 = tpu.memref_slice %arg4[%arg0, %arg1, %dma_start3A] : memref<2x16x65536xi32, #tpu.memory_space<hbm>> -> memref<1x1x65536xi32, #tpu.memory_space<hbm>>
      %dma_start3A_26 = tpu.memref_squeeze %dma_start3A_25 : memref<1x1x65536xi32, #tpu.memory_space<hbm>> -> memref<65536xi32, #tpu.memory_space<hbm>>
      %dma_start3A_27 = arith.constant 0 : i32
      %dma_start3A_28 = tpu.memref_slice %arg4[%arg0, %arg1, %dma_start3A_27] : memref<2x16x65536xi32, #tpu.memory_space<hbm>> -> memref<1x1x65536xi32, #tpu.memory_space<hbm>>
      %dma_start3A_29 = tpu.memref_squeeze %dma_start3A_28 : memref<1x1x65536xi32, #tpu.memory_space<hbm>> -> memref<65536xi32, #tpu.memory_space<hbm>>
      tpu.enqueue_dma source(%arg6 : memref<65536xi32, #tpu.memory_space<vmem>>) target(%dma_start3A_29 : memref<65536xi32, #tpu.memory_space<hbm>>) target_semaphore(%run_scoped3A : memref<!tpu.dma_semaphore, #tpu.memory_space<semaphore_mem>>)
      %dma_wait3A = arith.constant 0 : i32
      %dma_wait3A_30 = tpu.memref_slice %arg4[%arg0, %arg1, %dma_wait3A] : memref<2x16x65536xi32, #tpu.memory_space<hbm>> -> memref<1x1x65536xi32, #tpu.memory_space<hbm>>
      %dma_wait3A_31 = tpu.memref_squeeze %dma_wait3A_30 : memref<1x1x65536xi32, #tpu.memory_space<hbm>> -> memref<65536xi32, #tpu.memory_space<hbm>>
      %dma_wait3A_32 = arith.constant 0 : i32
      %dma_wait3A_33 = tpu.memref_slice %arg4[%arg0, %arg1, %dma_wait3A_32] : memref<2x16x65536xi32, #tpu.memory_space<hbm>> -> memref<1x1x65536xi32, #tpu.memory_space<hbm>>
      %dma_wait3A_34 = tpu.memref_squeeze %dma_wait3A_33 : memref<1x1x65536xi32, #tpu.memory_space<hbm>> -> memref<65536xi32, #tpu.memory_space<hbm>>
      tpu.wait_dma2 semaphore(%run_scoped3A : memref<!tpu.dma_semaphore, #tpu.memory_space<semaphore_mem>>) src(%arg6 : memref<65536xi32, #tpu.memory_space<vmem>>) dst(%dma_wait3A_34 : memref<65536xi32, #tpu.memory_space<hbm>>)
      tpu.yield
    }) : () -> ()
    return
  }
}

#map = affine_map<(d0, d1) -> (0)>
#map1 = affine_map<(d0, d1) -> (0, 0)>
module attributes {stable_mosaic.version = 14 : i64} {
  func.func @_sc_hist_hi(%arg0: i32, %arg1: i32, %arg2: memref<16777216xf32, #tpu.memory_space<hbm>>, %arg3: memref<32x65536xi32, #tpu.memory_space<hbm>>, %arg4: memref<16384xf32, #tpu.memory_space<vmem>>, %arg5: memref<65536xi32, #tpu.memory_space<vmem>>) attributes {dimension_semantics = [#tpu.dimension_semantics<core_parallel>, #tpu.dimension_semantics<subcore_parallel>], iteration_bounds = array<i64: 2, 16>, scalar_prefetch = 0 : i64, scratch_operands = 2 : i64, tpu.core_type = #tpu.core_type<sc_vector_subcore>, window_params = [{transform_indices = #map}, {transform_indices = #map1}]} {
    %mul3A = arith.constant 2 : i32
    %mul3A_0 = arith.muli %arg1, %mul3A : i32
    %add3A = arith.addi %mul3A_0, %arg0 : i32
    %mul3A_1 = arith.constant 524288 : i32
    %mul3A_2 = arith.muli %add3A, %mul3A_1 : i32
    %broadcast_in_dim3A = arith.constant 0 : i32
    %broadcast_in_dim3A_3 = vector.broadcast %broadcast_in_dim3A : i32 to vector<16xi32>
    %scan3A = arith.constant 0 : i32
    %scan3A_4 = arith.constant 0 : i32
    %scan3A_5 = arith.constant 4096 : i32
    %scan3A_6 = arith.addi %scan3A_4, %scan3A_5 : i32
    %scan3A_7 = arith.constant 1 : i32
    scf.for %scan3A_17 = %scan3A_4 to %scan3A_6 step %scan3A_7  : i32 {
      %mul3A_18 = arith.constant 16 : i32
      %mul3A_19 = arith.muli %scan3A_17, %mul3A_18 : i32
      %swap3A = arith.index_cast %mul3A_19 : i32 to index
      %swap3A_20 = tpu.vector_load %arg5[%swap3A] {strides = array<i32>} : memref<65536xi32, #tpu.memory_space<vmem>>, vector<16xi32>,
      tpu.vector_store %arg5[%swap3A], %broadcast_in_dim3A_3 {strides = array<i32>} : memref<65536xi32, #tpu.memory_space<vmem>>, vector<16xi32>,
    }
    %scan3A_8 = arith.constant 4096 : i32
    %broadcast_in_dim3A_9 = arith.constant 1 : i32
    %broadcast_in_dim3A_10 = vector.broadcast %broadcast_in_dim3A_9 : i32 to vector<16xi32>
    %scan3A_11 = arith.constant 0 : i32
    %scan3A_12 = arith.constant 0 : i32
    %scan3A_13 = arith.constant 32 : i32
    %scan3A_14 = arith.addi %scan3A_12, %scan3A_13 : i32
    %scan3A_15 = arith.constant 1 : i32
    scf.for %scan3A_17 = %scan3A_12 to %scan3A_14 step %scan3A_15  : i32 {
      %mul3A_18 = arith.constant 16384 : i32
      %mul3A_19 = arith.muli %scan3A_17, %mul3A_18 : i32
      %add3A_20 = arith.addi %mul3A_2, %mul3A_19 : i32
      "tpu.region"() ({
        %run_scoped3A = tpu.sem_alloc : memref<!tpu.dma_semaphore, #tpu.memory_space<semaphore_mem>>
        %dma_start3A = tpu.memref_slice %arg2[%add3A_20] : memref<16777216xf32, #tpu.memory_space<hbm>> -> memref<16384xf32, #tpu.memory_space<hbm>>
        %dma_start3A_27 = tpu.memref_slice %arg2[%add3A_20] : memref<16777216xf32, #tpu.memory_space<hbm>> -> memref<16384xf32, #tpu.memory_space<hbm>>
        tpu.enqueue_dma source(%dma_start3A_27 : memref<16384xf32, #tpu.memory_space<hbm>>) target(%arg4 : memref<16384xf32, #tpu.memory_space<vmem>>) target_semaphore(%run_scoped3A : memref<!tpu.dma_semaphore, #tpu.memory_space<semaphore_mem>>)
        %dma_wait3A = tpu.memref_slice %arg2[%add3A_20] : memref<16777216xf32, #tpu.memory_space<hbm>> -> memref<16384xf32, #tpu.memory_space<hbm>>
        %dma_wait3A_28 = tpu.memref_slice %arg2[%add3A_20] : memref<16777216xf32, #tpu.memory_space<hbm>> -> memref<16384xf32, #tpu.memory_space<hbm>>
        tpu.wait_dma2 semaphore(%run_scoped3A : memref<!tpu.dma_semaphore, #tpu.memory_space<semaphore_mem>>) src(%dma_wait3A_28 : memref<16384xf32, #tpu.memory_space<hbm>>) dst(%arg4 : memref<16384xf32, #tpu.memory_space<vmem>>)
        tpu.yield
      }) : () -> ()
      %scan3A_21 = arith.constant 0 : i32
      %scan3A_22 = arith.constant 0 : i32
      %scan3A_23 = arith.constant 1024 : i32
      %scan3A_24 = arith.addi %scan3A_22, %scan3A_23 : i32
      %scan3A_25 = arith.constant 1 : i32
      scf.for %scan3A_27 = %scan3A_22 to %scan3A_24 step %scan3A_25  : i32 {
        %mul3A_28 = arith.constant 16 : i32
        %mul3A_29 = arith.muli %scan3A_27, %mul3A_28 : i32
        %get3A = arith.index_cast %mul3A_29 : i32 to index
        %get3A_30 = tpu.vector_load %arg4[%get3A] {strides = array<i32>} : memref<16384xf32, #tpu.memory_space<vmem>>, vector<16xf32>,
        %bitcast_convert_type3A = tpu.bitcast %get3A_30 : vector<16xf32> -> vector<16xi32>
        %shift_right_arithmetic3A = arith.constant 31 : i32
        %shift_right_arithmetic3A_31 = vector.broadcast %shift_right_arithmetic3A : i32 to vector<16xi32>
        %shift_right_arithmetic3A_32 = arith.shrsi %bitcast_convert_type3A, %shift_right_arithmetic3A_31 : vector<16xi32>
        %or3A = arith.constant -2147483648 : i32
        %or3A_33 = vector.broadcast %or3A : i32 to vector<16xi32>
        %or3A_34 = arith.ori %shift_right_arithmetic3A_32, %or3A_33 : vector<16xi32>
        %xor3A = arith.xori %bitcast_convert_type3A, %or3A_34 : vector<16xi32>
        %shift_right_logical3A = arith.constant 16 : i32
        %shift_right_logical3A_35 = vector.broadcast %shift_right_logical3A : i32 to vector<16xi32>
        %shift_right_logical3A_36 = arith.shrui %xor3A, %shift_right_logical3A_35 : vector<16xi32>
        tpu.vector_store_idx %arg5[%shift_right_logical3A_36], %broadcast_in_dim3A_10 {add = true} : memref<65536xi32, #tpu.memory_space<vmem>>[vector<16xi32>], vector<16xi32>,
      }
      %scan3A_26 = arith.constant 1024 : i32
    }
    %scan3A_16 = arith.constant 32 : i32
    "tpu.region"() ({
      %run_scoped3A = tpu.sem_alloc : memref<!tpu.dma_semaphore, #tpu.memory_space<semaphore_mem>>
      %dma_start3A = arith.constant 0 : i32
      %dma_start3A_17 = tpu.memref_slice %arg3[%add3A, %dma_start3A] : memref<32x65536xi32, #tpu.memory_space<hbm>> -> memref<1x65536xi32, #tpu.memory_space<hbm>>
      %dma_start3A_18 = tpu.memref_squeeze %dma_start3A_17 : memref<1x65536xi32, #tpu.memory_space<hbm>> -> memref<65536xi32, #tpu.memory_space<hbm>>
      %dma_start3A_19 = arith.constant 0 : i32
      %dma_start3A_20 = tpu.memref_slice %arg3[%add3A, %dma_start3A_19] : memref<32x65536xi32, #tpu.memory_space<hbm>> -> memref<1x65536xi32, #tpu.memory_space<hbm>>
      %dma_start3A_21 = tpu.memref_squeeze %dma_start3A_20 : memref<1x65536xi32, #tpu.memory_space<hbm>> -> memref<65536xi32, #tpu.memory_space<hbm>>
      tpu.enqueue_dma source(%arg5 : memref<65536xi32, #tpu.memory_space<vmem>>) target(%dma_start3A_21 : memref<65536xi32, #tpu.memory_space<hbm>>) target_semaphore(%run_scoped3A : memref<!tpu.dma_semaphore, #tpu.memory_space<semaphore_mem>>)
      %dma_wait3A = arith.constant 0 : i32
      %dma_wait3A_22 = tpu.memref_slice %arg3[%add3A, %dma_wait3A] : memref<32x65536xi32, #tpu.memory_space<hbm>> -> memref<1x65536xi32, #tpu.memory_space<hbm>>
      %dma_wait3A_23 = tpu.memref_squeeze %dma_wait3A_22 : memref<1x65536xi32, #tpu.memory_space<hbm>> -> memref<65536xi32, #tpu.memory_space<hbm>>
      %dma_wait3A_24 = arith.constant 0 : i32
      %dma_wait3A_25 = tpu.memref_slice %arg3[%add3A, %dma_wait3A_24] : memref<32x65536xi32, #tpu.memory_space<hbm>> -> memref<1x65536xi32, #tpu.memory_space<hbm>>
      %dma_wait3A_26 = tpu.memref_squeeze %dma_wait3A_25 : memref<1x65536xi32, #tpu.memory_space<hbm>> -> memref<65536xi32, #tpu.memory_space<hbm>>
      tpu.wait_dma2 semaphore(%run_scoped3A : memref<!tpu.dma_semaphore, #tpu.memory_space<semaphore_mem>>) src(%arg5 : memref<65536xi32, #tpu.memory_space<vmem>>) dst(%dma_wait3A_26 : memref<65536xi32, #tpu.memory_space<hbm>>)
      tpu.yield
    }) : () -> ()
    return
  }
}

module attributes {stable_mosaic.version = 14 : i64} {
  func.func @_tc_select_hi_body(%arg0: memref<32x65536xi32, #tpu.memory_space<vmem>>, %arg1: memref<8x128xi32, #tpu.memory_space<vmem>>) attributes {dimension_semantics = [], scalar_prefetch = 0 : i64, scratch_operands = 0 : i64, tpu.core_type = #tpu.core_type<tc>} {
    %get3A = arith.constant 0 : index
    %get3A_0 = arith.constant 0 : index
    %get3A_1 = vector.load %arg0[%get3A, %get3A_0] : memref<32x65536xi32, #tpu.memory_space<vmem>>, vector<32x65536xi32>
    %reduce_sum3A = arith.constant dense<0> : vector<65536xi32>
    %reduce_sum3A_2 = vector.multi_reduction <add>, %get3A_1, %reduce_sum3A [0] : vector<32x65536xi32> to vector<65536xi32>
    %broadcast_in_dim3A = vector.shape_cast %reduce_sum3A_2 : vector<65536xi32> to vector<1x65536xi32>
    %iota3A = tpu.iota {dimensions = array<i32: 1>} : vector<1x65536xi32>
    %roll3A = arith.constant 1 : i32
    %roll3A_3 = tpu.dynamic_rotate %broadcast_in_dim3A by %roll3A dim 1 : vector<1x65536xi32>, i32 -> vector<1x65536xi32>
    %ge3A = arith.constant 1 : i32
    %ge3A_4 = vector.broadcast %ge3A : i32 to vector<1x65536xi32>
    %ge3A_5 = arith.cmpi sge, %iota3A, %ge3A_4 : vector<1x65536xi32>
    %jit3A = arith.constant 0 : i32
    %broadcast_in_dim3A_6 = vector.broadcast %jit3A : i32 to vector<1x65536xi32>
    %select_n3A = arith.select %ge3A_5, %roll3A_3, %broadcast_in_dim3A_6 : vector<1x65536xi1>, vector<1x65536xi32>
    %add3A = arith.addi %broadcast_in_dim3A, %select_n3A : vector<1x65536xi32>
    %roll3A_7 = arith.constant 2 : i32
    %roll3A_8 = tpu.dynamic_rotate %add3A by %roll3A_7 dim 1 : vector<1x65536xi32>, i32 -> vector<1x65536xi32>
    %ge3A_9 = arith.constant 2 : i32
    %ge3A_10 = vector.broadcast %ge3A_9 : i32 to vector<1x65536xi32>
    %ge3A_11 = arith.cmpi sge, %iota3A, %ge3A_10 : vector<1x65536xi32>
    %jit3A_12 = arith.constant 0 : i32
    %broadcast_in_dim3A_13 = vector.broadcast %jit3A_12 : i32 to vector<1x65536xi32>
    %select_n3A_14 = arith.select %ge3A_11, %roll3A_8, %broadcast_in_dim3A_13 : vector<1x65536xi1>, vector<1x65536xi32>
    %add3A_15 = arith.addi %add3A, %select_n3A_14 : vector<1x65536xi32>
    %roll3A_16 = arith.constant 4 : i32
    %roll3A_17 = tpu.dynamic_rotate %add3A_15 by %roll3A_16 dim 1 : vector<1x65536xi32>, i32 -> vector<1x65536xi32>
    %ge3A_18 = arith.constant 4 : i32
    %ge3A_19 = vector.broadcast %ge3A_18 : i32 to vector<1x65536xi32>
    %ge3A_20 = arith.cmpi sge, %iota3A, %ge3A_19 : vector<1x65536xi32>
    %jit3A_21 = arith.constant 0 : i32
    %broadcast_in_dim3A_22 = vector.broadcast %jit3A_21 : i32 to vector<1x65536xi32>
    %select_n3A_23 = arith.select %ge3A_20, %roll3A_17, %broadcast_in_dim3A_22 : vector<1x65536xi1>, vector<1x65536xi32>
    %add3A_24 = arith.addi %add3A_15, %select_n3A_23 : vector<1x65536xi32>
    %roll3A_25 = arith.constant 8 : i32
    %roll3A_26 = tpu.dynamic_rotate %add3A_24 by %roll3A_25 dim 1 : vector<1x65536xi32>, i32 -> vector<1x65536xi32>
    %ge3A_27 = arith.constant 8 : i32
    %ge3A_28 = vector.broadcast %ge3A_27 : i32 to vector<1x65536xi32>
    %ge3A_29 = arith.cmpi sge, %iota3A, %ge3A_28 : vector<1x65536xi32>
    %jit3A_30 = arith.constant 0 : i32
    %broadcast_in_dim3A_31 = vector.broadcast %jit3A_30 : i32 to vector<1x65536xi32>
    %select_n3A_32 = arith.select %ge3A_29, %roll3A_26, %broadcast_in_dim3A_31 : vector<1x65536xi1>, vector<1x65536xi32>
    %add3A_33 = arith.addi %add3A_24, %select_n3A_32 : vector<1x65536xi32>
    %roll3A_34 = arith.constant 16 : i32
    %roll3A_35 = tpu.dynamic_rotate %add3A_33 by %roll3A_34 dim 1 : vector<1x65536xi32>, i32 -> vector<1x65536xi32>
    %ge3A_36 = arith.constant 16 : i32
    %ge3A_37 = vector.broadcast %ge3A_36 : i32 to vector<1x65536xi32>
    %ge3A_38 = arith.cmpi sge, %iota3A, %ge3A_37 : vector<1x65536xi32>
    %jit3A_39 = arith.constant 0 : i32
    %broadcast_in_dim3A_40 = vector.broadcast %jit3A_39 : i32 to vector<1x65536xi32>
    %select_n3A_41 = arith.select %ge3A_38, %roll3A_35, %broadcast_in_dim3A_40 : vector<1x65536xi1>, vector<1x65536xi32>
    %add3A_42 = arith.addi %add3A_33, %select_n3A_41 : vector<1x65536xi32>
    %roll3A_43 = arith.constant 32 : i32
    %roll3A_44 = tpu.dynamic_rotate %add3A_42 by %roll3A_43 dim 1 : vector<1x65536xi32>, i32 -> vector<1x65536xi32>
    %ge3A_45 = arith.constant 32 : i32
    %ge3A_46 = vector.broadcast %ge3A_45 : i32 to vector<1x65536xi32>
    %ge3A_47 = arith.cmpi sge, %iota3A, %ge3A_46 : vector<1x65536xi32>
    %jit3A_48 = arith.constant 0 : i32
    %broadcast_in_dim3A_49 = vector.broadcast %jit3A_48 : i32 to vector<1x65536xi32>
    %select_n3A_50 = arith.select %ge3A_47, %roll3A_44, %broadcast_in_dim3A_49 : vector<1x65536xi1>, vector<1x65536xi32>
    %add3A_51 = arith.addi %add3A_42, %select_n3A_50 : vector<1x65536xi32>
    %roll3A_52 = arith.constant 64 : i32
    %roll3A_53 = tpu.dynamic_rotate %add3A_51 by %roll3A_52 dim 1 : vector<1x65536xi32>, i32 -> vector<1x65536xi32>
    %ge3A_54 = arith.constant 64 : i32
    %ge3A_55 = vector.broadcast %ge3A_54 : i32 to vector<1x65536xi32>
    %ge3A_56 = arith.cmpi sge, %iota3A, %ge3A_55 : vector<1x65536xi32>
    %jit3A_57 = arith.constant 0 : i32
    %broadcast_in_dim3A_58 = vector.broadcast %jit3A_57 : i32 to vector<1x65536xi32>
    %select_n3A_59 = arith.select %ge3A_56, %roll3A_53, %broadcast_in_dim3A_58 : vector<1x65536xi1>, vector<1x65536xi32>
    %add3A_60 = arith.addi %add3A_51, %select_n3A_59 : vector<1x65536xi32>
    %roll3A_61 = arith.constant 128 : i32
    %roll3A_62 = tpu.dynamic_rotate %add3A_60 by %roll3A_61 dim 1 : vector<1x65536xi32>, i32 -> vector<1x65536xi32>
    %ge3A_63 = arith.constant 128 : i32
    %ge3A_64 = vector.broadcast %ge3A_63 : i32 to vector<1x65536xi32>
    %ge3A_65 = arith.cmpi sge, %iota3A, %ge3A_64 : vector<1x65536xi32>
    %jit3A_66 = arith.constant 0 : i32
    %broadcast_in_dim3A_67 = vector.broadcast %jit3A_66 : i32 to vector<1x65536xi32>
    %select_n3A_68 = arith.select %ge3A_65, %roll3A_62, %broadcast_in_dim3A_67 : vector<1x65536xi1>, vector<1x65536xi32>
    %add3A_69 = arith.addi %add3A_60, %select_n3A_68 : vector<1x65536xi32>
    %roll3A_70 = arith.constant 256 : i32
    %roll3A_71 = tpu.dynamic_rotate %add3A_69 by %roll3A_70 dim 1 : vector<1x65536xi32>, i32 -> vector<1x65536xi32>
    %ge3A_72 = arith.constant 256 : i32
    %ge3A_73 = vector.broadcast %ge3A_72 : i32 to vector<1x65536xi32>
    %ge3A_74 = arith.cmpi sge, %iota3A, %ge3A_73 : vector<1x65536xi32>
    %jit3A_75 = arith.constant 0 : i32
    %broadcast_in_dim3A_76 = vector.broadcast %jit3A_75 : i32 to vector<1x65536xi32>
    %select_n3A_77 = arith.select %ge3A_74, %roll3A_71, %broadcast_in_dim3A_76 : vector<1x65536xi1>, vector<1x65536xi32>
    %add3A_78 = arith.addi %add3A_69, %select_n3A_77 : vector<1x65536xi32>
    %roll3A_79 = arith.constant 512 : i32
    %roll3A_80 = tpu.dynamic_rotate %add3A_78 by %roll3A_79 dim 1 : vector<1x65536xi32>, i32 -> vector<1x65536xi32>
    %ge3A_81 = arith.constant 512 : i32
    %ge3A_82 = vector.broadcast %ge3A_81 : i32 to vector<1x65536xi32>
    %ge3A_83 = arith.cmpi sge, %iota3A, %ge3A_82 : vector<1x65536xi32>
    %jit3A_84 = arith.constant 0 : i32
    %broadcast_in_dim3A_85 = vector.broadcast %jit3A_84 : i32 to vector<1x65536xi32>
    %select_n3A_86 = arith.select %ge3A_83, %roll3A_80, %broadcast_in_dim3A_85 : vector<1x65536xi1>, vector<1x65536xi32>
    %add3A_87 = arith.addi %add3A_78, %select_n3A_86 : vector<1x65536xi32>
    %roll3A_88 = arith.constant 1024 : i32
    %roll3A_89 = tpu.dynamic_rotate %add3A_87 by %roll3A_88 dim 1 : vector<1x65536xi32>, i32 -> vector<1x65536xi32>
    %ge3A_90 = arith.constant 1024 : i32
    %ge3A_91 = vector.broadcast %ge3A_90 : i32 to vector<1x65536xi32>
    %ge3A_92 = arith.cmpi sge, %iota3A, %ge3A_91 : vector<1x65536xi32>
    %jit3A_93 = arith.constant 0 : i32
    %broadcast_in_dim3A_94 = vector.broadcast %jit3A_93 : i32 to vector<1x65536xi32>
    %select_n3A_95 = arith.select %ge3A_92, %roll3A_89, %broadcast_in_dim3A_94 : vector<1x65536xi1>, vector<1x65536xi32>
    %add3A_96 = arith.addi %add3A_87, %select_n3A_95 : vector<1x65536xi32>
    %roll3A_97 = arith.constant 2048 : i32
    %roll3A_98 = tpu.dynamic_rotate %add3A_96 by %roll3A_97 dim 1 : vector<1x65536xi32>, i32 -> vector<1x65536xi32>
    %ge3A_99 = arith.constant 2048 : i32
    %ge3A_100 = vector.broadcast %ge3A_99 : i32 to vector<1x65536xi32>
    %ge3A_101 = arith.cmpi sge, %iota3A, %ge3A_100 : vector<1x65536xi32>
    %jit3A_102 = arith.constant 0 : i32
    %broadcast_in_dim3A_103 = vector.broadcast %jit3A_102 : i32 to vector<1x65536xi32>
    %select_n3A_104 = arith.select %ge3A_101, %roll3A_98, %broadcast_in_dim3A_103 : vector<1x65536xi1>, vector<1x65536xi32>
    %add3A_105 = arith.addi %add3A_96, %select_n3A_104 : vector<1x65536xi32>
    %roll3A_106 = arith.constant 4096 : i32
    %roll3A_107 = tpu.dynamic_rotate %add3A_105 by %roll3A_106 dim 1 : vector<1x65536xi32>, i32 -> vector<1x65536xi32>
    %ge3A_108 = arith.constant 4096 : i32
    %ge3A_109 = vector.broadcast %ge3A_108 : i32 to vector<1x65536xi32>
    %ge3A_110 = arith.cmpi sge, %iota3A, %ge3A_109 : vector<1x65536xi32>
    %jit3A_111 = arith.constant 0 : i32
    %broadcast_in_dim3A_112 = vector.broadcast %jit3A_111 : i32 to vector<1x65536xi32>
    %select_n3A_113 = arith.select %ge3A_110, %roll3A_107, %broadcast_in_dim3A_112 : vector<1x65536xi1>, vector<1x65536xi32>
    %add3A_114 = arith.addi %add3A_105, %select_n3A_113 : vector<1x65536xi32>
    %roll3A_115 = arith.constant 8192 : i32
    %roll3A_116 = tpu.dynamic_rotate %add3A_114 by %roll3A_115 dim 1 : vector<1x65536xi32>, i32 -> vector<1x65536xi32>
    %ge3A_117 = arith.constant 8192 : i32
    %ge3A_118 = vector.broadcast %ge3A_117 : i32 to vector<1x65536xi32>
    %ge3A_119 = arith.cmpi sge, %iota3A, %ge3A_118 : vector<1x65536xi32>
    %jit3A_120 = arith.constant 0 : i32
    %broadcast_in_dim3A_121 = vector.broadcast %jit3A_120 : i32 to vector<1x65536xi32>
    %select_n3A_122 = arith.select %ge3A_119, %roll3A_116, %broadcast_in_dim3A_121 : vector<1x65536xi1>, vector<1x65536xi32>
    %add3A_123 = arith.addi %add3A_114, %select_n3A_122 : vector<1x65536xi32>
    %roll3A_124 = arith.constant 16384 : i32
    %roll3A_125 = tpu.dynamic_rotate %add3A_123 by %roll3A_124 dim 1 : vector<1x65536xi32>, i32 -> vector<1x65536xi32>
    %ge3A_126 = arith.constant 16384 : i32
    %ge3A_127 = vector.broadcast %ge3A_126 : i32 to vector<1x65536xi32>
    %ge3A_128 = arith.cmpi sge, %iota3A, %ge3A_127 : vector<1x65536xi32>
    %jit3A_129 = arith.constant 0 : i32
    %broadcast_in_dim3A_130 = vector.broadcast %jit3A_129 : i32 to vector<1x65536xi32>
    %select_n3A_131 = arith.select %ge3A_128, %roll3A_125, %broadcast_in_dim3A_130 : vector<1x65536xi1>, vector<1x65536xi32>
    %add3A_132 = arith.addi %add3A_123, %select_n3A_131 : vector<1x65536xi32>
    %roll3A_133 = arith.constant 32768 : i32
    %roll3A_134 = tpu.dynamic_rotate %add3A_132 by %roll3A_133 dim 1 : vector<1x65536xi32>, i32 -> vector<1x65536xi32>
    %ge3A_135 = arith.constant 32768 : i32
    %ge3A_136 = vector.broadcast %ge3A_135 : i32 to vector<1x65536xi32>
    %ge3A_137 = arith.cmpi sge, %iota3A, %ge3A_136 : vector<1x65536xi32>
    %jit3A_138 = arith.constant 0 : i32
    %broadcast_in_dim3A_139 = vector.broadcast %jit3A_138 : i32 to vector<1x65536xi32>
    %select_n3A_140 = arith.select %ge3A_137, %roll3A_134, %broadcast_in_dim3A_139 : vector<1x65536xi1>, vector<1x65536xi32>
    %add3A_141 = arith.addi %add3A_132, %select_n3A_140 : vector<1x65536xi32>
    %lt3A = arith.constant 167772 : i32
    %lt3A_142 = vector.broadcast %lt3A : i32 to vector<1x65536xi32>
    %lt3A_143 = arith.cmpi slt, %add3A_141, %lt3A_142 : vector<1x65536xi32>
    %lt3A_144 = arith.constant 16609444 : i32
    %lt3A_145 = vector.broadcast %lt3A_144 : i32 to vector<1x65536xi32>
    %lt3A_146 = arith.cmpi slt, %add3A_141, %lt3A_145 : vector<1x65536xi32>
    %jit3A_147 = arith.constant 1 : i32
    %jit3A_148 = arith.constant 0 : i32
    %broadcast_in_dim3A_149 = vector.broadcast %jit3A_147 : i32 to vector<1x65536xi32>
    %broadcast_in_dim3A_150 = vector.broadcast %jit3A_148 : i32 to vector<1x65536xi32>
    %select_n3A_151 = arith.select %lt3A_143, %broadcast_in_dim3A_149, %broadcast_in_dim3A_150 : vector<1x65536xi1>, vector<1x65536xi32>
    %reduce_sum3A_152 = arith.constant dense<0> : vector<1xi32>
    %reduce_sum3A_153 = vector.multi_reduction <add>, %select_n3A_151, %reduce_sum3A_152 [1] : vector<1x65536xi32> to vector<1xi32>
    %broadcast_in_dim3A_154 = vector.shape_cast %reduce_sum3A_153 : vector<1xi32> to vector<1x1xi32>
    %jit3A_155 = arith.constant 1 : i32
    %jit3A_156 = arith.constant 0 : i32
    %broadcast_in_dim3A_157 = vector.broadcast %jit3A_155 : i32 to vector<1x65536xi32>
    %broadcast_in_dim3A_158 = vector.broadcast %jit3A_156 : i32 to vector<1x65536xi32>
    %select_n3A_159 = arith.select %lt3A_146, %broadcast_in_dim3A_157, %broadcast_in_dim3A_158 : vector<1x65536xi1>, vector<1x65536xi32>
    %reduce_sum3A_160 = arith.constant dense<0> : vector<1xi32>
    %reduce_sum3A_161 = vector.multi_reduction <add>, %select_n3A_159, %reduce_sum3A_160 [1] : vector<1x65536xi32> to vector<1xi32>
    %broadcast_in_dim3A_162 = vector.shape_cast %reduce_sum3A_161 : vector<1xi32> to vector<1x1xi32>
    %jit3A_163 = arith.constant 0 : i32
    %broadcast_in_dim3A_164 = vector.broadcast %jit3A_163 : i32 to vector<1x65536xi32>
    %select_n3A_165 = arith.select %lt3A_143, %add3A_141, %broadcast_in_dim3A_164 : vector<1x65536xi1>, vector<1x65536xi32>
    %reduce_max3A = arith.constant dense<-2147483648> : vector<1xi32>
    %reduce_max3A_166 = vector.multi_reduction <maxsi>, %select_n3A_165, %reduce_max3A [1] : vector<1x65536xi32> to vector<1xi32>
    %broadcast_in_dim3A_167 = vector.shape_cast %reduce_max3A_166 : vector<1xi32> to vector<1x1xi32>
    %jit3A_168 = arith.constant 0 : i32
    %broadcast_in_dim3A_169 = vector.broadcast %jit3A_168 : i32 to vector<1x65536xi32>
    %select_n3A_170 = arith.select %lt3A_146, %add3A_141, %broadcast_in_dim3A_169 : vector<1x65536xi1>, vector<1x65536xi32>
    %reduce_max3A_171 = arith.constant dense<-2147483648> : vector<1xi32>
    %reduce_max3A_172 = vector.multi_reduction <maxsi>, %select_n3A_170, %reduce_max3A_171 [1] : vector<1x65536xi32> to vector<1xi32>
    %broadcast_in_dim3A_173 = vector.shape_cast %reduce_max3A_172 : vector<1xi32> to vector<1x1xi32>
    %iota3A_174 = tpu.iota {dimensions = array<i32: 0>} : vector<8x128xi32>
    %eq3A = arith.constant 0 : i32
    %eq3A_175 = vector.broadcast %eq3A : i32 to vector<8x128xi32>
    %eq3A_176 = arith.cmpi eq, %iota3A_174, %eq3A_175 : vector<8x128xi32>
    %eq3A_177 = arith.constant 1 : i32
    %eq3A_178 = vector.broadcast %eq3A_177 : i32 to vector<8x128xi32>
    %eq3A_179 = arith.cmpi eq, %iota3A_174, %eq3A_178 : vector<8x128xi32>
    %eq3A_180 = arith.constant 2 : i32
    %eq3A_181 = vector.broadcast %eq3A_180 : i32 to vector<8x128xi32>
    %eq3A_182 = arith.cmpi eq, %iota3A_174, %eq3A_181 : vector<8x128xi32>
    %broadcast_in_dim3A_183 = vector.shape_cast %broadcast_in_dim3A_167 : vector<1x1xi32> to vector<1x1xi32>
    %broadcast_in_dim3A_184 = vector.broadcast %broadcast_in_dim3A_183 : vector<1x1xi32> to vector<8x128xi32>
    %broadcast_in_dim3A_185 = vector.shape_cast %broadcast_in_dim3A_173 : vector<1x1xi32> to vector<1x1xi32>
    %broadcast_in_dim3A_186 = vector.broadcast %broadcast_in_dim3A_185 : vector<1x1xi32> to vector<8x128xi32>
    %select_n3A_187 = arith.select %eq3A_182, %broadcast_in_dim3A_184, %broadcast_in_dim3A_186 : vector<8x128xi1>, vector<8x128xi32>
    %broadcast_in_dim3A_188 = vector.shape_cast %broadcast_in_dim3A_162 : vector<1x1xi32> to vector<1x1xi32>
    %broadcast_in_dim3A_189 = vector.broadcast %broadcast_in_dim3A_188 : vector<1x1xi32> to vector<8x128xi32>
    %select_n3A_190 = arith.select %eq3A_179, %broadcast_in_dim3A_189, %select_n3A_187 : vector<8x128xi1>, vector<8x128xi32>
    %broadcast_in_dim3A_191 = vector.shape_cast %broadcast_in_dim3A_154 : vector<1x1xi32> to vector<1x1xi32>
    %broadcast_in_dim3A_192 = vector.broadcast %broadcast_in_dim3A_191 : vector<1x1xi32> to vector<8x128xi32>
    %select_n3A_193 = arith.select %eq3A_176, %broadcast_in_dim3A_192, %select_n3A_190 : vector<8x128xi1>, vector<8x128xi32>
    %swap3A = arith.constant 0 : index
    %swap3A_194 = arith.constant 0 : index
    %swap3A_195 = vector.load %arg1[%swap3A, %swap3A_194] : memref<8x128xi32, #tpu.memory_space<vmem>>, vector<8x128xi32>
    tpu.vector_store %arg1[%swap3A, %swap3A_194], %select_n3A_193 {strides = array<i32>} : memref<8x128xi32, #tpu.memory_space<vmem>>, vector<8x128xi32>,
    return
  }
}

module attributes {stable_mosaic.version = 14 : i64} {
  func.func @_tc_quantize_body(%arg0: i32, %arg1: memref<256x4096xf32, #tpu.memory_space<vmem>>, %arg2: memref<8x128xf32, #tpu.memory_space<vmem>>, %arg3: memref<256x4096xf32, #tpu.memory_space<vmem>>) attributes {dimension_semantics = [#tpu.dimension_semantics<arbitrary>], iteration_bounds = array<i64: 16>, scalar_prefetch = 0 : i64, scratch_operands = 0 : i64, tpu.core_type = #tpu.core_type<tc>, window_params = [{transform_indices = @transform_0, window_bounds = array<i64: 256, 4096>}, {pipeline_mode = #tpu.pipeline_mode<synchronous>, transform_indices = @transform_1, window_bounds = array<i64: 8, 128>}, {transform_indices = @transform_2, window_bounds = array<i64: 256, 4096>}]} {
    %get3A = arith.constant 0 : index
    %get3A_0 = arith.constant 0 : index
    %get3A_1 = vector.load %arg2[%get3A, %get3A_0] : memref<8x128xf32, #tpu.memory_space<vmem>>, vector<1x1xf32>
    %get3A_2 = arith.constant 1 : index
    %get3A_3 = arith.constant 0 : index
    %get3A_4 = vector.load %arg2[%get3A_2, %get3A_3] : memref<8x128xf32, #tpu.memory_space<vmem>>, vector<1x1xf32>
    %sub3A = arith.subf %get3A_4, %get3A_1 : vector<1x1xf32>
    %get3A_5 = arith.constant 0 : index
    %get3A_6 = arith.constant 0 : index
    %get3A_7 = vector.load %arg1[%get3A_5, %get3A_6] : memref<256x4096xf32, #tpu.memory_space<vmem>>, vector<256x4096xf32>
    %sub3A_8 = vector.broadcast %get3A_1 : vector<1x1xf32> to vector<256x4096xf32>
    %sub3A_9 = arith.subf %get3A_7, %sub3A_8 : vector<256x4096xf32>
    %div3A = arith.constant 2.540000e+02 : f32
    %div3A_10 = vector.broadcast %div3A : f32 to vector<1x1xf32>
    %div3A_11 = arith.divf %div3A_10, %sub3A : vector<1x1xf32>
    %mul3A = vector.broadcast %div3A_11 : vector<1x1xf32> to vector<256x4096xf32>
    %mul3A_12 = arith.mulf %sub3A_9, %mul3A : vector<256x4096xf32>
    %round3A = math.roundeven %mul3A_12 : vector<256x4096xf32>
    %div3A_13 = arith.constant 2.540000e+02 : f32
    %div3A_14 = vector.broadcast %div3A_13 : f32 to vector<1x1xf32>
    %div3A_15 = arith.divf %sub3A, %div3A_14 : vector<1x1xf32>
    %mul3A_16 = vector.broadcast %div3A_15 : vector<1x1xf32> to vector<256x4096xf32>
    %mul3A_17 = arith.mulf %round3A, %mul3A_16 : vector<256x4096xf32>
    %add3A = vector.broadcast %get3A_1 : vector<1x1xf32> to vector<256x4096xf32>
    %add3A_18 = arith.addf %mul3A_17, %add3A : vector<256x4096xf32>
    %mul3A_19 = arith.constant 0.00196850393 : f32
    %mul3A_20 = vector.broadcast %mul3A_19 : f32 to vector<1x1xf32>
    %mul3A_21 = arith.mulf %sub3A, %mul3A_20 : vector<1x1xf32>
    %sub3A_22 = arith.subf %get3A_1, %mul3A_21 : vector<1x1xf32>
    %mul3A_23 = arith.constant 0.00196850393 : f32
    %mul3A_24 = vector.broadcast %mul3A_23 : f32 to vector<1x1xf32>
    %mul3A_25 = arith.mulf %sub3A, %mul3A_24 : vector<1x1xf32>
    %add3A_26 = arith.addf %get3A_4, %mul3A_25 : vector<1x1xf32>
    %max3A = vector.broadcast %sub3A_22 : vector<1x1xf32> to vector<256x4096xf32>
    %max3A_27 = arith.maximumf %max3A, %add3A_18 : vector<256x4096xf32>
    %min3A = vector.broadcast %add3A_26 : vector<1x1xf32> to vector<256x4096xf32>
    %min3A_28 = arith.minimumf %min3A, %max3A_27 : vector<256x4096xf32>
    %swap3A = arith.constant 0 : index
    %swap3A_29 = arith.constant 0 : index
    %swap3A_30 = vector.load %arg3[%swap3A, %swap3A_29] : memref<256x4096xf32, #tpu.memory_space<vmem>>, vector<256x4096xf32>
    tpu.vector_store %arg3[%swap3A, %swap3A_29], %min3A_28 {strides = array<i32>} : memref<256x4096xf32, #tpu.memory_space<vmem>>, vector<256x4096xf32>,
    return
  }
  func.func @transform_0(%arg0: i32) -> (i32, i32) {
    %c0_i32 = arith.constant 0 : i32
    %c0_i32_0 = arith.constant 0 : i32
    return %arg0, %c0_i32 : i32, i32
  }
  func.func @transform_1(%arg0: i32) -> (i32, i32) {
    %c0_i32 = arith.constant 0 : i32
    %c0_i32_0 = arith.constant 0 : i32
    %c0_i32_1 = arith.constant 0 : i32
    return %c0_i32, %c0_i32_0 : i32, i32
  }
  func.func @transform_2(%arg0: i32) -> (i32, i32) {
    %c0_i32 = arith.constant 0 : i32
    %c0_i32_0 = arith.constant 0 : i32
    return %arg0, %c0_i32 : i32, i32
  }
}

module attributes {stable_mosaic.version = 14 : i64} {
  func.func @_tc_select_lo_body(%arg0: memref<2x16x65536xi32, #tpu.memory_space<vmem>>, %arg1: memref<8x128xi32, #tpu.memory_space<vmem>>, %arg2: memref<8x128xf32, #tpu.memory_space<vmem>>) attributes {dimension_semantics = [], scalar_prefetch = 0 : i64, scratch_operands = 0 : i64, tpu.core_type = #tpu.core_type<tc>} {
    %get3A = arith.constant 0 : index
    %get3A_0 = arith.constant 0 : index
    %get3A_1 = arith.constant 0 : index
    %get3A_2 = vector.load %arg0[%get3A, %get3A_0, %get3A_1] : memref<2x16x65536xi32, #tpu.memory_space<vmem>>, vector<1x16x65536xi32>
    %get3A_3 = vector.shape_cast %get3A_2 : vector<1x16x65536xi32> to vector<16x65536xi32>
    %reduce_sum3A = arith.constant dense<0> : vector<65536xi32>
    %reduce_sum3A_4 = vector.multi_reduction <add>, %get3A_3, %reduce_sum3A [0] : vector<16x65536xi32> to vector<65536xi32>
    %broadcast_in_dim3A = vector.shape_cast %reduce_sum3A_4 : vector<65536xi32> to vector<1x65536xi32>
    %get3A_5 = arith.constant 1 : index
    %get3A_6 = arith.constant 0 : index
    %get3A_7 = arith.constant 0 : index
    %get3A_8 = vector.load %arg0[%get3A_5, %get3A_6, %get3A_7] : memref<2x16x65536xi32, #tpu.memory_space<vmem>>, vector<1x16x65536xi32>
    %get3A_9 = vector.shape_cast %get3A_8 : vector<1x16x65536xi32> to vector<16x65536xi32>
    %reduce_sum3A_10 = arith.constant dense<0> : vector<65536xi32>
    %reduce_sum3A_11 = vector.multi_reduction <add>, %get3A_9, %reduce_sum3A_10 [0] : vector<16x65536xi32> to vector<65536xi32>
    %broadcast_in_dim3A_12 = vector.shape_cast %reduce_sum3A_11 : vector<65536xi32> to vector<1x65536xi32>
    %iota3A = tpu.iota {dimensions = array<i32: 1>} : vector<1x65536xi32>
    %roll3A = arith.constant 1 : i32
    %roll3A_13 = tpu.dynamic_rotate %broadcast_in_dim3A by %roll3A dim 1 : vector<1x65536xi32>, i32 -> vector<1x65536xi32>
    %ge3A = arith.constant 1 : i32
    %ge3A_14 = vector.broadcast %ge3A : i32 to vector<1x65536xi32>
    %ge3A_15 = arith.cmpi sge, %iota3A, %ge3A_14 : vector<1x65536xi32>
    %jit3A = arith.constant 0 : i32
    %broadcast_in_dim3A_16 = vector.broadcast %jit3A : i32 to vector<1x65536xi32>
    %select_n3A = arith.select %ge3A_15, %roll3A_13, %broadcast_in_dim3A_16 : vector<1x65536xi1>, vector<1x65536xi32>
    %add3A = arith.addi %broadcast_in_dim3A, %select_n3A : vector<1x65536xi32>
    %roll3A_17 = arith.constant 2 : i32
    %roll3A_18 = tpu.dynamic_rotate %add3A by %roll3A_17 dim 1 : vector<1x65536xi32>, i32 -> vector<1x65536xi32>
    %ge3A_19 = arith.constant 2 : i32
    %ge3A_20 = vector.broadcast %ge3A_19 : i32 to vector<1x65536xi32>
    %ge3A_21 = arith.cmpi sge, %iota3A, %ge3A_20 : vector<1x65536xi32>
    %jit3A_22 = arith.constant 0 : i32
    %broadcast_in_dim3A_23 = vector.broadcast %jit3A_22 : i32 to vector<1x65536xi32>
    %select_n3A_24 = arith.select %ge3A_21, %roll3A_18, %broadcast_in_dim3A_23 : vector<1x65536xi1>, vector<1x65536xi32>
    %add3A_25 = arith.addi %add3A, %select_n3A_24 : vector<1x65536xi32>
    %roll3A_26 = arith.constant 4 : i32
    %roll3A_27 = tpu.dynamic_rotate %add3A_25 by %roll3A_26 dim 1 : vector<1x65536xi32>, i32 -> vector<1x65536xi32>
    %ge3A_28 = arith.constant 4 : i32
    %ge3A_29 = vector.broadcast %ge3A_28 : i32 to vector<1x65536xi32>
    %ge3A_30 = arith.cmpi sge, %iota3A, %ge3A_29 : vector<1x65536xi32>
    %jit3A_31 = arith.constant 0 : i32
    %broadcast_in_dim3A_32 = vector.broadcast %jit3A_31 : i32 to vector<1x65536xi32>
    %select_n3A_33 = arith.select %ge3A_30, %roll3A_27, %broadcast_in_dim3A_32 : vector<1x65536xi1>, vector<1x65536xi32>
    %add3A_34 = arith.addi %add3A_25, %select_n3A_33 : vector<1x65536xi32>
    %roll3A_35 = arith.constant 8 : i32
    %roll3A_36 = tpu.dynamic_rotate %add3A_34 by %roll3A_35 dim 1 : vector<1x65536xi32>, i32 -> vector<1x65536xi32>
    %ge3A_37 = arith.constant 8 : i32
    %ge3A_38 = vector.broadcast %ge3A_37 : i32 to vector<1x65536xi32>
    %ge3A_39 = arith.cmpi sge, %iota3A, %ge3A_38 : vector<1x65536xi32>
    %jit3A_40 = arith.constant 0 : i32
    %broadcast_in_dim3A_41 = vector.broadcast %jit3A_40 : i32 to vector<1x65536xi32>
    %select_n3A_42 = arith.select %ge3A_39, %roll3A_36, %broadcast_in_dim3A_41 : vector<1x65536xi1>, vector<1x65536xi32>
    %add3A_43 = arith.addi %add3A_34, %select_n3A_42 : vector<1x65536xi32>
    %roll3A_44 = arith.constant 16 : i32
    %roll3A_45 = tpu.dynamic_rotate %add3A_43 by %roll3A_44 dim 1 : vector<1x65536xi32>, i32 -> vector<1x65536xi32>
    %ge3A_46 = arith.constant 16 : i32
    %ge3A_47 = vector.broadcast %ge3A_46 : i32 to vector<1x65536xi32>
    %ge3A_48 = arith.cmpi sge, %iota3A, %ge3A_47 : vector<1x65536xi32>
    %jit3A_49 = arith.constant 0 : i32
    %broadcast_in_dim3A_50 = vector.broadcast %jit3A_49 : i32 to vector<1x65536xi32>
    %select_n3A_51 = arith.select %ge3A_48, %roll3A_45, %broadcast_in_dim3A_50 : vector<1x65536xi1>, vector<1x65536xi32>
    %add3A_52 = arith.addi %add3A_43, %select_n3A_51 : vector<1x65536xi32>
    %roll3A_53 = arith.constant 32 : i32
    %roll3A_54 = tpu.dynamic_rotate %add3A_52 by %roll3A_53 dim 1 : vector<1x65536xi32>, i32 -> vector<1x65536xi32>
    %ge3A_55 = arith.constant 32 : i32
    %ge3A_56 = vector.broadcast %ge3A_55 : i32 to vector<1x65536xi32>
    %ge3A_57 = arith.cmpi sge, %iota3A, %ge3A_56 : vector<1x65536xi32>
    %jit3A_58 = arith.constant 0 : i32
    %broadcast_in_dim3A_59 = vector.broadcast %jit3A_58 : i32 to vector<1x65536xi32>
    %select_n3A_60 = arith.select %ge3A_57, %roll3A_54, %broadcast_in_dim3A_59 : vector<1x65536xi1>, vector<1x65536xi32>
    %add3A_61 = arith.addi %add3A_52, %select_n3A_60 : vector<1x65536xi32>
    %roll3A_62 = arith.constant 64 : i32
    %roll3A_63 = tpu.dynamic_rotate %add3A_61 by %roll3A_62 dim 1 : vector<1x65536xi32>, i32 -> vector<1x65536xi32>
    %ge3A_64 = arith.constant 64 : i32
    %ge3A_65 = vector.broadcast %ge3A_64 : i32 to vector<1x65536xi32>
    %ge3A_66 = arith.cmpi sge, %iota3A, %ge3A_65 : vector<1x65536xi32>
    %jit3A_67 = arith.constant 0 : i32
    %broadcast_in_dim3A_68 = vector.broadcast %jit3A_67 : i32 to vector<1x65536xi32>
    %select_n3A_69 = arith.select %ge3A_66, %roll3A_63, %broadcast_in_dim3A_68 : vector<1x65536xi1>, vector<1x65536xi32>
    %add3A_70 = arith.addi %add3A_61, %select_n3A_69 : vector<1x65536xi32>
    %roll3A_71 = arith.constant 128 : i32
    %roll3A_72 = tpu.dynamic_rotate %add3A_70 by %roll3A_71 dim 1 : vector<1x65536xi32>, i32 -> vector<1x65536xi32>
    %ge3A_73 = arith.constant 128 : i32
    %ge3A_74 = vector.broadcast %ge3A_73 : i32 to vector<1x65536xi32>
    %ge3A_75 = arith.cmpi sge, %iota3A, %ge3A_74 : vector<1x65536xi32>
    %jit3A_76 = arith.constant 0 : i32
    %broadcast_in_dim3A_77 = vector.broadcast %jit3A_76 : i32 to vector<1x65536xi32>
    %select_n3A_78 = arith.select %ge3A_75, %roll3A_72, %broadcast_in_dim3A_77 : vector<1x65536xi1>, vector<1x65536xi32>
    %add3A_79 = arith.addi %add3A_70, %select_n3A_78 : vector<1x65536xi32>
    %roll3A_80 = arith.constant 256 : i32
    %roll3A_81 = tpu.dynamic_rotate %add3A_79 by %roll3A_80 dim 1 : vector<1x65536xi32>, i32 -> vector<1x65536xi32>
    %ge3A_82 = arith.constant 256 : i32
    %ge3A_83 = vector.broadcast %ge3A_82 : i32 to vector<1x65536xi32>
    %ge3A_84 = arith.cmpi sge, %iota3A, %ge3A_83 : vector<1x65536xi32>
    %jit3A_85 = arith.constant 0 : i32
    %broadcast_in_dim3A_86 = vector.broadcast %jit3A_85 : i32 to vector<1x65536xi32>
    %select_n3A_87 = arith.select %ge3A_84, %roll3A_81, %broadcast_in_dim3A_86 : vector<1x65536xi1>, vector<1x65536xi32>
    %add3A_88 = arith.addi %add3A_79, %select_n3A_87 : vector<1x65536xi32>
    %roll3A_89 = arith.constant 512 : i32
    %roll3A_90 = tpu.dynamic_rotate %add3A_88 by %roll3A_89 dim 1 : vector<1x65536xi32>, i32 -> vector<1x65536xi32>
    %ge3A_91 = arith.constant 512 : i32
    %ge3A_92 = vector.broadcast %ge3A_91 : i32 to vector<1x65536xi32>
    %ge3A_93 = arith.cmpi sge, %iota3A, %ge3A_92 : vector<1x65536xi32>
    %jit3A_94 = arith.constant 0 : i32
    %broadcast_in_dim3A_95 = vector.broadcast %jit3A_94 : i32 to vector<1x65536xi32>
    %select_n3A_96 = arith.select %ge3A_93, %roll3A_90, %broadcast_in_dim3A_95 : vector<1x65536xi1>, vector<1x65536xi32>
    %add3A_97 = arith.addi %add3A_88, %select_n3A_96 : vector<1x65536xi32>
    %roll3A_98 = arith.constant 1024 : i32
    %roll3A_99 = tpu.dynamic_rotate %add3A_97 by %roll3A_98 dim 1 : vector<1x65536xi32>, i32 -> vector<1x65536xi32>
    %ge3A_100 = arith.constant 1024 : i32
    %ge3A_101 = vector.broadcast %ge3A_100 : i32 to vector<1x65536xi32>
    %ge3A_102 = arith.cmpi sge, %iota3A, %ge3A_101 : vector<1x65536xi32>
    %jit3A_103 = arith.constant 0 : i32
    %broadcast_in_dim3A_104 = vector.broadcast %jit3A_103 : i32 to vector<1x65536xi32>
    %select_n3A_105 = arith.select %ge3A_102, %roll3A_99, %broadcast_in_dim3A_104 : vector<1x65536xi1>, vector<1x65536xi32>
    %add3A_106 = arith.addi %add3A_97, %select_n3A_105 : vector<1x65536xi32>
    %roll3A_107 = arith.constant 2048 : i32
    %roll3A_108 = tpu.dynamic_rotate %add3A_106 by %roll3A_107 dim 1 : vector<1x65536xi32>, i32 -> vector<1x65536xi32>
    %ge3A_109 = arith.constant 2048 : i32
    %ge3A_110 = vector.broadcast %ge3A_109 : i32 to vector<1x65536xi32>
    %ge3A_111 = arith.cmpi sge, %iota3A, %ge3A_110 : vector<1x65536xi32>
    %jit3A_112 = arith.constant 0 : i32
    %broadcast_in_dim3A_113 = vector.broadcast %jit3A_112 : i32 to vector<1x65536xi32>
    %select_n3A_114 = arith.select %ge3A_111, %roll3A_108, %broadcast_in_dim3A_113 : vector<1x65536xi1>, vector<1x65536xi32>
    %add3A_115 = arith.addi %add3A_106, %select_n3A_114 : vector<1x65536xi32>
    %roll3A_116 = arith.constant 4096 : i32
    %roll3A_117 = tpu.dynamic_rotate %add3A_115 by %roll3A_116 dim 1 : vector<1x65536xi32>, i32 -> vector<1x65536xi32>
    %ge3A_118 = arith.constant 4096 : i32
    %ge3A_119 = vector.broadcast %ge3A_118 : i32 to vector<1x65536xi32>
    %ge3A_120 = arith.cmpi sge, %iota3A, %ge3A_119 : vector<1x65536xi32>
    %jit3A_121 = arith.constant 0 : i32
    %broadcast_in_dim3A_122 = vector.broadcast %jit3A_121 : i32 to vector<1x65536xi32>
    %select_n3A_123 = arith.select %ge3A_120, %roll3A_117, %broadcast_in_dim3A_122 : vector<1x65536xi1>, vector<1x65536xi32>
    %add3A_124 = arith.addi %add3A_115, %select_n3A_123 : vector<1x65536xi32>
    %roll3A_125 = arith.constant 8192 : i32
    %roll3A_126 = tpu.dynamic_rotate %add3A_124 by %roll3A_125 dim 1 : vector<1x65536xi32>, i32 -> vector<1x65536xi32>
    %ge3A_127 = arith.constant 8192 : i32
    %ge3A_128 = vector.broadcast %ge3A_127 : i32 to vector<1x65536xi32>
    %ge3A_129 = arith.cmpi sge, %iota3A, %ge3A_128 : vector<1x65536xi32>
    %jit3A_130 = arith.constant 0 : i32
    %broadcast_in_dim3A_131 = vector.broadcast %jit3A_130 : i32 to vector<1x65536xi32>
    %select_n3A_132 = arith.select %ge3A_129, %roll3A_126, %broadcast_in_dim3A_131 : vector<1x65536xi1>, vector<1x65536xi32>
    %add3A_133 = arith.addi %add3A_124, %select_n3A_132 : vector<1x65536xi32>
    %roll3A_134 = arith.constant 16384 : i32
    %roll3A_135 = tpu.dynamic_rotate %add3A_133 by %roll3A_134 dim 1 : vector<1x65536xi32>, i32 -> vector<1x65536xi32>
    %ge3A_136 = arith.constant 16384 : i32
    %ge3A_137 = vector.broadcast %ge3A_136 : i32 to vector<1x65536xi32>
    %ge3A_138 = arith.cmpi sge, %iota3A, %ge3A_137 : vector<1x65536xi32>
    %jit3A_139 = arith.constant 0 : i32
    %broadcast_in_dim3A_140 = vector.broadcast %jit3A_139 : i32 to vector<1x65536xi32>
    %select_n3A_141 = arith.select %ge3A_138, %roll3A_135, %broadcast_in_dim3A_140 : vector<1x65536xi1>, vector<1x65536xi32>
    %add3A_142 = arith.addi %add3A_133, %select_n3A_141 : vector<1x65536xi32>
    %roll3A_143 = arith.constant 32768 : i32
    %roll3A_144 = tpu.dynamic_rotate %add3A_142 by %roll3A_143 dim 1 : vector<1x65536xi32>, i32 -> vector<1x65536xi32>
    %ge3A_145 = arith.constant 32768 : i32
    %ge3A_146 = vector.broadcast %ge3A_145 : i32 to vector<1x65536xi32>
    %ge3A_147 = arith.cmpi sge, %iota3A, %ge3A_146 : vector<1x65536xi32>
    %jit3A_148 = arith.constant 0 : i32
    %broadcast_in_dim3A_149 = vector.broadcast %jit3A_148 : i32 to vector<1x65536xi32>
    %select_n3A_150 = arith.select %ge3A_147, %roll3A_144, %broadcast_in_dim3A_149 : vector<1x65536xi1>, vector<1x65536xi32>
    %add3A_151 = arith.addi %add3A_142, %select_n3A_150 : vector<1x65536xi32>
    %iota3A_152 = tpu.iota {dimensions = array<i32: 1>} : vector<1x65536xi32>
    %roll3A_153 = arith.constant 1 : i32
    %roll3A_154 = tpu.dynamic_rotate %broadcast_in_dim3A_12 by %roll3A_153 dim 1 : vector<1x65536xi32>, i32 -> vector<1x65536xi32>
    %ge3A_155 = arith.constant 1 : i32
    %ge3A_156 = vector.broadcast %ge3A_155 : i32 to vector<1x65536xi32>
    %ge3A_157 = arith.cmpi sge, %iota3A_152, %ge3A_156 : vector<1x65536xi32>
    %jit3A_158 = arith.constant 0 : i32
    %broadcast_in_dim3A_159 = vector.broadcast %jit3A_158 : i32 to vector<1x65536xi32>
    %select_n3A_160 = arith.select %ge3A_157, %roll3A_154, %broadcast_in_dim3A_159 : vector<1x65536xi1>, vector<1x65536xi32>
    %add3A_161 = arith.addi %broadcast_in_dim3A_12, %select_n3A_160 : vector<1x65536xi32>
    %roll3A_162 = arith.constant 2 : i32
    %roll3A_163 = tpu.dynamic_rotate %add3A_161 by %roll3A_162 dim 1 : vector<1x65536xi32>, i32 -> vector<1x65536xi32>
    %ge3A_164 = arith.constant 2 : i32
    %ge3A_165 = vector.broadcast %ge3A_164 : i32 to vector<1x65536xi32>
    %ge3A_166 = arith.cmpi sge, %iota3A_152, %ge3A_165 : vector<1x65536xi32>
    %jit3A_167 = arith.constant 0 : i32
    %broadcast_in_dim3A_168 = vector.broadcast %jit3A_167 : i32 to vector<1x65536xi32>
    %select_n3A_169 = arith.select %ge3A_166, %roll3A_163, %broadcast_in_dim3A_168 : vector<1x65536xi1>, vector<1x65536xi32>
    %add3A_170 = arith.addi %add3A_161, %select_n3A_169 : vector<1x65536xi32>
    %roll3A_171 = arith.constant 4 : i32
    %roll3A_172 = tpu.dynamic_rotate %add3A_170 by %roll3A_171 dim 1 : vector<1x65536xi32>, i32 -> vector<1x65536xi32>
    %ge3A_173 = arith.constant 4 : i32
    %ge3A_174 = vector.broadcast %ge3A_173 : i32 to vector<1x65536xi32>
    %ge3A_175 = arith.cmpi sge, %iota3A_152, %ge3A_174 : vector<1x65536xi32>
    %jit3A_176 = arith.constant 0 : i32
    %broadcast_in_dim3A_177 = vector.broadcast %jit3A_176 : i32 to vector<1x65536xi32>
    %select_n3A_178 = arith.select %ge3A_175, %roll3A_172, %broadcast_in_dim3A_177 : vector<1x65536xi1>, vector<1x65536xi32>
    %add3A_179 = arith.addi %add3A_170, %select_n3A_178 : vector<1x65536xi32>
    %roll3A_180 = arith.constant 8 : i32
    %roll3A_181 = tpu.dynamic_rotate %add3A_179 by %roll3A_180 dim 1 : vector<1x65536xi32>, i32 -> vector<1x65536xi32>
    %ge3A_182 = arith.constant 8 : i32
    %ge3A_183 = vector.broadcast %ge3A_182 : i32 to vector<1x65536xi32>
    %ge3A_184 = arith.cmpi sge, %iota3A_152, %ge3A_183 : vector<1x65536xi32>
    %jit3A_185 = arith.constant 0 : i32
    %broadcast_in_dim3A_186 = vector.broadcast %jit3A_185 : i32 to vector<1x65536xi32>
    %select_n3A_187 = arith.select %ge3A_184, %roll3A_181, %broadcast_in_dim3A_186 : vector<1x65536xi1>, vector<1x65536xi32>
    %add3A_188 = arith.addi %add3A_179, %select_n3A_187 : vector<1x65536xi32>
    %roll3A_189 = arith.constant 16 : i32
    %roll3A_190 = tpu.dynamic_rotate %add3A_188 by %roll3A_189 dim 1 : vector<1x65536xi32>, i32 -> vector<1x65536xi32>
    %ge3A_191 = arith.constant 16 : i32
    %ge3A_192 = vector.broadcast %ge3A_191 : i32 to vector<1x65536xi32>
    %ge3A_193 = arith.cmpi sge, %iota3A_152, %ge3A_192 : vector<1x65536xi32>
    %jit3A_194 = arith.constant 0 : i32
    %broadcast_in_dim3A_195 = vector.broadcast %jit3A_194 : i32 to vector<1x65536xi32>
    %select_n3A_196 = arith.select %ge3A_193, %roll3A_190, %broadcast_in_dim3A_195 : vector<1x65536xi1>, vector<1x65536xi32>
    %add3A_197 = arith.addi %add3A_188, %select_n3A_196 : vector<1x65536xi32>
    %roll3A_198 = arith.constant 32 : i32
    %roll3A_199 = tpu.dynamic_rotate %add3A_197 by %roll3A_198 dim 1 : vector<1x65536xi32>, i32 -> vector<1x65536xi32>
    %ge3A_200 = arith.constant 32 : i32
    %ge3A_201 = vector.broadcast %ge3A_200 : i32 to vector<1x65536xi32>
    %ge3A_202 = arith.cmpi sge, %iota3A_152, %ge3A_201 : vector<1x65536xi32>
    %jit3A_203 = arith.constant 0 : i32
    %broadcast_in_dim3A_204 = vector.broadcast %jit3A_203 : i32 to vector<1x65536xi32>
    %select_n3A_205 = arith.select %ge3A_202, %roll3A_199, %broadcast_in_dim3A_204 : vector<1x65536xi1>, vector<1x65536xi32>
    %add3A_206 = arith.addi %add3A_197, %select_n3A_205 : vector<1x65536xi32>
    %roll3A_207 = arith.constant 64 : i32
    %roll3A_208 = tpu.dynamic_rotate %add3A_206 by %roll3A_207 dim 1 : vector<1x65536xi32>, i32 -> vector<1x65536xi32>
    %ge3A_209 = arith.constant 64 : i32
    %ge3A_210 = vector.broadcast %ge3A_209 : i32 to vector<1x65536xi32>
    %ge3A_211 = arith.cmpi sge, %iota3A_152, %ge3A_210 : vector<1x65536xi32>
    %jit3A_212 = arith.constant 0 : i32
    %broadcast_in_dim3A_213 = vector.broadcast %jit3A_212 : i32 to vector<1x65536xi32>
    %select_n3A_214 = arith.select %ge3A_211, %roll3A_208, %broadcast_in_dim3A_213 : vector<1x65536xi1>, vector<1x65536xi32>
    %add3A_215 = arith.addi %add3A_206, %select_n3A_214 : vector<1x65536xi32>
    %roll3A_216 = arith.constant 128 : i32
    %roll3A_217 = tpu.dynamic_rotate %add3A_215 by %roll3A_216 dim 1 : vector<1x65536xi32>, i32 -> vector<1x65536xi32>
    %ge3A_218 = arith.constant 128 : i32
    %ge3A_219 = vector.broadcast %ge3A_218 : i32 to vector<1x65536xi32>
    %ge3A_220 = arith.cmpi sge, %iota3A_152, %ge3A_219 : vector<1x65536xi32>
    %jit3A_221 = arith.constant 0 : i32
    %broadcast_in_dim3A_222 = vector.broadcast %jit3A_221 : i32 to vector<1x65536xi32>
    %select_n3A_223 = arith.select %ge3A_220, %roll3A_217, %broadcast_in_dim3A_222 : vector<1x65536xi1>, vector<1x65536xi32>
    %add3A_224 = arith.addi %add3A_215, %select_n3A_223 : vector<1x65536xi32>
    %roll3A_225 = arith.constant 256 : i32
    %roll3A_226 = tpu.dynamic_rotate %add3A_224 by %roll3A_225 dim 1 : vector<1x65536xi32>, i32 -> vector<1x65536xi32>
    %ge3A_227 = arith.constant 256 : i32
    %ge3A_228 = vector.broadcast %ge3A_227 : i32 to vector<1x65536xi32>
    %ge3A_229 = arith.cmpi sge, %iota3A_152, %ge3A_228 : vector<1x65536xi32>
    %jit3A_230 = arith.constant 0 : i32
    %broadcast_in_dim3A_231 = vector.broadcast %jit3A_230 : i32 to vector<1x65536xi32>
    %select_n3A_232 = arith.select %ge3A_229, %roll3A_226, %broadcast_in_dim3A_231 : vector<1x65536xi1>, vector<1x65536xi32>
    %add3A_233 = arith.addi %add3A_224, %select_n3A_232 : vector<1x65536xi32>
    %roll3A_234 = arith.constant 512 : i32
    %roll3A_235 = tpu.dynamic_rotate %add3A_233 by %roll3A_234 dim 1 : vector<1x65536xi32>, i32 -> vector<1x65536xi32>
    %ge3A_236 = arith.constant 512 : i32
    %ge3A_237 = vector.broadcast %ge3A_236 : i32 to vector<1x65536xi32>
    %ge3A_238 = arith.cmpi sge, %iota3A_152, %ge3A_237 : vector<1x65536xi32>
    %jit3A_239 = arith.constant 0 : i32
    %broadcast_in_dim3A_240 = vector.broadcast %jit3A_239 : i32 to vector<1x65536xi32>
    %select_n3A_241 = arith.select %ge3A_238, %roll3A_235, %broadcast_in_dim3A_240 : vector<1x65536xi1>, vector<1x65536xi32>
    %add3A_242 = arith.addi %add3A_233, %select_n3A_241 : vector<1x65536xi32>
    %roll3A_243 = arith.constant 1024 : i32
    %roll3A_244 = tpu.dynamic_rotate %add3A_242 by %roll3A_243 dim 1 : vector<1x65536xi32>, i32 -> vector<1x65536xi32>
    %ge3A_245 = arith.constant 1024 : i32
    %ge3A_246 = vector.broadcast %ge3A_245 : i32 to vector<1x65536xi32>
    %ge3A_247 = arith.cmpi sge, %iota3A_152, %ge3A_246 : vector<1x65536xi32>
    %jit3A_248 = arith.constant 0 : i32
    %broadcast_in_dim3A_249 = vector.broadcast %jit3A_248 : i32 to vector<1x65536xi32>
    %select_n3A_250 = arith.select %ge3A_247, %roll3A_244, %broadcast_in_dim3A_249 : vector<1x65536xi1>, vector<1x65536xi32>
    %add3A_251 = arith.addi %add3A_242, %select_n3A_250 : vector<1x65536xi32>
    %roll3A_252 = arith.constant 2048 : i32
    %roll3A_253 = tpu.dynamic_rotate %add3A_251 by %roll3A_252 dim 1 : vector<1x65536xi32>, i32 -> vector<1x65536xi32>
    %ge3A_254 = arith.constant 2048 : i32
    %ge3A_255 = vector.broadcast %ge3A_254 : i32 to vector<1x65536xi32>
    %ge3A_256 = arith.cmpi sge, %iota3A_152, %ge3A_255 : vector<1x65536xi32>
    %jit3A_257 = arith.constant 0 : i32
    %broadcast_in_dim3A_258 = vector.broadcast %jit3A_257 : i32 to vector<1x65536xi32>
    %select_n3A_259 = arith.select %ge3A_256, %roll3A_253, %broadcast_in_dim3A_258 : vector<1x65536xi1>, vector<1x65536xi32>
    %add3A_260 = arith.addi %add3A_251, %select_n3A_259 : vector<1x65536xi32>
    %roll3A_261 = arith.constant 4096 : i32
    %roll3A_262 = tpu.dynamic_rotate %add3A_260 by %roll3A_261 dim 1 : vector<1x65536xi32>, i32 -> vector<1x65536xi32>
    %ge3A_263 = arith.constant 4096 : i32
    %ge3A_264 = vector.broadcast %ge3A_263 : i32 to vector<1x65536xi32>
    %ge3A_265 = arith.cmpi sge, %iota3A_152, %ge3A_264 : vector<1x65536xi32>
    %jit3A_266 = arith.constant 0 : i32
    %broadcast_in_dim3A_267 = vector.broadcast %jit3A_266 : i32 to vector<1x65536xi32>
    %select_n3A_268 = arith.select %ge3A_265, %roll3A_262, %broadcast_in_dim3A_267 : vector<1x65536xi1>, vector<1x65536xi32>
    %add3A_269 = arith.addi %add3A_260, %select_n3A_268 : vector<1x65536xi32>
    %roll3A_270 = arith.constant 8192 : i32
    %roll3A_271 = tpu.dynamic_rotate %add3A_269 by %roll3A_270 dim 1 : vector<1x65536xi32>, i32 -> vector<1x65536xi32>
    %ge3A_272 = arith.constant 8192 : i32
    %ge3A_273 = vector.broadcast %ge3A_272 : i32 to vector<1x65536xi32>
    %ge3A_274 = arith.cmpi sge, %iota3A_152, %ge3A_273 : vector<1x65536xi32>
    %jit3A_275 = arith.constant 0 : i32
    %broadcast_in_dim3A_276 = vector.broadcast %jit3A_275 : i32 to vector<1x65536xi32>
    %select_n3A_277 = arith.select %ge3A_274, %roll3A_271, %broadcast_in_dim3A_276 : vector<1x65536xi1>, vector<1x65536xi32>
    %add3A_278 = arith.addi %add3A_269, %select_n3A_277 : vector<1x65536xi32>
    %roll3A_279 = arith.constant 16384 : i32
    %roll3A_280 = tpu.dynamic_rotate %add3A_278 by %roll3A_279 dim 1 : vector<1x65536xi32>, i32 -> vector<1x65536xi32>
    %ge3A_281 = arith.constant 16384 : i32
    %ge3A_282 = vector.broadcast %ge3A_281 : i32 to vector<1x65536xi32>
    %ge3A_283 = arith.cmpi sge, %iota3A_152, %ge3A_282 : vector<1x65536xi32>
    %jit3A_284 = arith.constant 0 : i32
    %broadcast_in_dim3A_285 = vector.broadcast %jit3A_284 : i32 to vector<1x65536xi32>
    %select_n3A_286 = arith.select %ge3A_283, %roll3A_280, %broadcast_in_dim3A_285 : vector<1x65536xi1>, vector<1x65536xi32>
    %add3A_287 = arith.addi %add3A_278, %select_n3A_286 : vector<1x65536xi32>
    %roll3A_288 = arith.constant 32768 : i32
    %roll3A_289 = tpu.dynamic_rotate %add3A_287 by %roll3A_288 dim 1 : vector<1x65536xi32>, i32 -> vector<1x65536xi32>
    %ge3A_290 = arith.constant 32768 : i32
    %ge3A_291 = vector.broadcast %ge3A_290 : i32 to vector<1x65536xi32>
    %ge3A_292 = arith.cmpi sge, %iota3A_152, %ge3A_291 : vector<1x65536xi32>
    %jit3A_293 = arith.constant 0 : i32
    %broadcast_in_dim3A_294 = vector.broadcast %jit3A_293 : i32 to vector<1x65536xi32>
    %select_n3A_295 = arith.select %ge3A_292, %roll3A_289, %broadcast_in_dim3A_294 : vector<1x65536xi1>, vector<1x65536xi32>
    %add3A_296 = arith.addi %add3A_287, %select_n3A_295 : vector<1x65536xi32>
    %get3A_297 = arith.constant 0 : index
    %get3A_298 = arith.constant 0 : index
    %get3A_299 = vector.load %arg1[%get3A_297, %get3A_298] : memref<8x128xi32, #tpu.memory_space<vmem>>, vector<1x1xi32>
    %get3A_300 = arith.constant 1 : index
    %get3A_301 = arith.constant 0 : index
    %get3A_302 = vector.load %arg1[%get3A_300, %get3A_301] : memref<8x128xi32, #tpu.memory_space<vmem>>, vector<1x1xi32>
    %get3A_303 = arith.constant 2 : index
    %get3A_304 = arith.constant 0 : index
    %get3A_305 = vector.load %arg1[%get3A_303, %get3A_304] : memref<8x128xi32, #tpu.memory_space<vmem>>, vector<1x1xi32>
    %get3A_306 = arith.constant 3 : index
    %get3A_307 = arith.constant 0 : index
    %get3A_308 = vector.load %arg1[%get3A_306, %get3A_307] : memref<8x128xi32, #tpu.memory_space<vmem>>, vector<1x1xi32>
    %sub3A = arith.constant 167772 : i32
    %sub3A_309 = vector.broadcast %sub3A : i32 to vector<1x1xi32>
    %sub3A_310 = arith.subi %sub3A_309, %get3A_305 : vector<1x1xi32>
    %sub3A_311 = arith.constant 16609444 : i32
    %sub3A_312 = vector.broadcast %sub3A_311 : i32 to vector<1x1xi32>
    %sub3A_313 = arith.subi %sub3A_312, %get3A_308 : vector<1x1xi32>
    %lt3A = vector.broadcast %sub3A_310 : vector<1x1xi32> to vector<1x65536xi32>
    %lt3A_314 = arith.cmpi slt, %add3A_151, %lt3A : vector<1x65536xi32>
    %jit3A_315 = arith.constant 1 : i32
    %jit3A_316 = arith.constant 0 : i32
    %broadcast_in_dim3A_317 = vector.broadcast %jit3A_315 : i32 to vector<1x65536xi32>
    %broadcast_in_dim3A_318 = vector.broadcast %jit3A_316 : i32 to vector<1x65536xi32>
    %select_n3A_319 = arith.select %lt3A_314, %broadcast_in_dim3A_317, %broadcast_in_dim3A_318 : vector<1x65536xi1>, vector<1x65536xi32>
    %reduce_sum3A_320 = arith.constant dense<0> : vector<1xi32>
    %reduce_sum3A_321 = vector.multi_reduction <add>, %select_n3A_319, %reduce_sum3A_320 [1] : vector<1x65536xi32> to vector<1xi32>
    %broadcast_in_dim3A_322 = vector.shape_cast %reduce_sum3A_321 : vector<1xi32> to vector<1x1xi32>
    %lt3A_323 = vector.broadcast %sub3A_313 : vector<1x1xi32> to vector<1x65536xi32>
    %lt3A_324 = arith.cmpi slt, %add3A_296, %lt3A_323 : vector<1x65536xi32>
    %jit3A_325 = arith.constant 1 : i32
    %jit3A_326 = arith.constant 0 : i32
    %broadcast_in_dim3A_327 = vector.broadcast %jit3A_325 : i32 to vector<1x65536xi32>
    %broadcast_in_dim3A_328 = vector.broadcast %jit3A_326 : i32 to vector<1x65536xi32>
    %select_n3A_329 = arith.select %lt3A_324, %broadcast_in_dim3A_327, %broadcast_in_dim3A_328 : vector<1x65536xi1>, vector<1x65536xi32>
    %reduce_sum3A_330 = arith.constant dense<0> : vector<1xi32>
    %reduce_sum3A_331 = vector.multi_reduction <add>, %select_n3A_329, %reduce_sum3A_330 [1] : vector<1x65536xi32> to vector<1xi32>
    %broadcast_in_dim3A_332 = vector.shape_cast %reduce_sum3A_331 : vector<1xi32> to vector<1x1xi32>
    %shift_left3A = arith.constant 16 : i32
    %shift_left3A_333 = vector.broadcast %shift_left3A : i32 to vector<1x1xi32>
    %shift_left3A_334 = arith.shli %get3A_299, %shift_left3A_333 : vector<1x1xi32>
    %or3A = arith.ori %shift_left3A_334, %broadcast_in_dim3A_322 : vector<1x1xi32>
    %shift_left3A_335 = arith.constant 16 : i32
    %shift_left3A_336 = vector.broadcast %shift_left3A_335 : i32 to vector<1x1xi32>
    %shift_left3A_337 = arith.shli %get3A_302, %shift_left3A_336 : vector<1x1xi32>
    %or3A_338 = arith.ori %shift_left3A_337, %broadcast_in_dim3A_332 : vector<1x1xi32>
    %lt3A_339 = arith.constant 0 : i32
    %lt3A_340 = vector.broadcast %lt3A_339 : i32 to vector<1x1xi32>
    %lt3A_341 = arith.cmpi slt, %or3A, %lt3A_340 : vector<1x1xi32>
    %xor3A = arith.constant -2147483648 : i32
    %xor3A_342 = vector.broadcast %xor3A : i32 to vector<1x1xi32>
    %xor3A_343 = arith.xori %or3A, %xor3A_342 : vector<1x1xi32>
    %not3A = arith.constant dense<-1> : vector<1x1xi32>
    %not3A_344 = arith.xori %or3A, %not3A : vector<1x1xi32>
    %select_n3A_345 = arith.select %lt3A_341, %xor3A_343, %not3A_344 : vector<1x1xi1>, vector<1x1xi32>
    %bitcast_convert_type3A = tpu.bitcast %select_n3A_345 : vector<1x1xi32> -> vector<1x1xf32>
    %lt3A_346 = arith.constant 0 : i32
    %lt3A_347 = vector.broadcast %lt3A_346 : i32 to vector<1x1xi32>
    %lt3A_348 = arith.cmpi slt, %or3A_338, %lt3A_347 : vector<1x1xi32>
    %xor3A_349 = arith.constant -2147483648 : i32
    %xor3A_350 = vector.broadcast %xor3A_349 : i32 to vector<1x1xi32>
    %xor3A_351 = arith.xori %or3A_338, %xor3A_350 : vector<1x1xi32>
    %not3A_352 = arith.constant dense<-1> : vector<1x1xi32>
    %not3A_353 = arith.xori %or3A_338, %not3A_352 : vector<1x1xi32>
    %select_n3A_354 = arith.select %lt3A_348, %xor3A_351, %not3A_353 : vector<1x1xi1>, vector<1x1xi32>
    %bitcast_convert_type3A_355 = tpu.bitcast %select_n3A_354 : vector<1x1xi32> -> vector<1x1xf32>
    %mul3A = arith.constant 5.000000e-02 : f32
    %mul3A_356 = vector.broadcast %mul3A : f32 to vector<1x1xf32>
    %mul3A_357 = arith.mulf %bitcast_convert_type3A, %mul3A_356 : vector<1x1xf32>
    %add3A_358 = arith.constant -9.500000e+01 : f32
    %add3A_359 = vector.broadcast %add3A_358 : f32 to vector<1x1xf32>
    %add3A_360 = arith.addf %add3A_359, %mul3A_357 : vector<1x1xf32>
    %mul3A_361 = arith.constant 5.000000e-02 : f32
    %mul3A_362 = vector.broadcast %mul3A_361 : f32 to vector<1x1xf32>
    %mul3A_363 = arith.mulf %bitcast_convert_type3A_355, %mul3A_362 : vector<1x1xf32>
    %add3A_364 = arith.constant 9.500000e+01 : f32
    %add3A_365 = vector.broadcast %add3A_364 : f32 to vector<1x1xf32>
    %add3A_366 = arith.addf %add3A_365, %mul3A_363 : vector<1x1xf32>
    %iota3A_367 = tpu.iota {dimensions = array<i32: 0>} : vector<8x128xi32>
    %eq3A = arith.constant 0 : i32
    %eq3A_368 = vector.broadcast %eq3A : i32 to vector<8x128xi32>
    %eq3A_369 = arith.cmpi eq, %iota3A_367, %eq3A_368 : vector<8x128xi32>
    %eq3A_370 = arith.constant 1 : i32
    %eq3A_371 = vector.broadcast %eq3A_370 : i32 to vector<8x128xi32>
    %eq3A_372 = arith.cmpi eq, %iota3A_367, %eq3A_371 : vector<8x128xi32>
    %jit3A_373 = arith.constant 0.000000e+00 : f32
    %broadcast_in_dim3A_374 = vector.shape_cast %add3A_366 : vector<1x1xf32> to vector<1x1xf32>
    %broadcast_in_dim3A_375 = vector.broadcast %broadcast_in_dim3A_374 : vector<1x1xf32> to vector<8x128xf32>
    %broadcast_in_dim3A_376 = vector.broadcast %jit3A_373 : f32 to vector<8x128xf32>
    %select_n3A_377 = arith.select %eq3A_372, %broadcast_in_dim3A_375, %broadcast_in_dim3A_376 : vector<8x128xi1>, vector<8x128xf32>
    %broadcast_in_dim3A_378 = vector.shape_cast %add3A_360 : vector<1x1xf32> to vector<1x1xf32>
    %broadcast_in_dim3A_379 = vector.broadcast %broadcast_in_dim3A_378 : vector<1x1xf32> to vector<8x128xf32>
    %select_n3A_380 = arith.select %eq3A_369, %broadcast_in_dim3A_379, %select_n3A_377 : vector<8x128xi1>, vector<8x128xf32>
    %swap3A = arith.constant 0 : index
    %swap3A_381 = arith.constant 0 : index
    %swap3A_382 = vector.load %arg2[%swap3A, %swap3A_381] : memref<8x128xf32, #tpu.memory_space<vmem>>, vector<8x128xf32>
    tpu.vector_store %arg2[%swap3A, %swap3A_381], %select_n3A_380 {strides = array<i32>} : memref<8x128xf32, #tpu.memory_space<vmem>>, vector<8x128xf32>,
    return
  }
}

</mosaic_0001>

<sc_bundles>
// kernel: kernel.10.cloned.1.call-start
scs
__scs_entry_jumppad:
0x0: {  	(pc) =	sbr.rel $0x88, $3  }
0x1: {  	(tag) =	ssettag $0x0;
	lr =	simm.s32 $0x1  }
0x2: {  	[smem:$0x3FA0] =	sst lr;
	_ =	strace $0xD0000000  }
0x3: {  	_ = 	snop  }
0x4: {  	_ = 	snop  }
0x5: {  	_ = 	snop  }
0x6: {  	_ = 	snop  }
0x7: {  	_ = 	snop  }
__scs_overlays_trampoline_lowered:
0x8: {  	[smem:$0x3FAF] =	sst s0  }
0x9: {  	[smem:$0x3FB0] =	sst s1  }
0xa: {  	[smem:$0x3FB1] =	sst s2  }
0xb: {  	[smem:$0x3FB2] =	sst s3  }
0xc: {  	[smem:$0x3FB3] =	sst s4  }
0xd: {  	[smem:$0x3FB4] =	sst s5  }
0xe: {  	[smem:$0x3FB5] =	sst s6  }
0xf: {  	[smem:$0x3FB6] =	sst s7  }
0x10: {  	[smem:$0x3FB7] =	sst s8  }
0x11: {  	[smem:$0x3FB8] =	sst s9;
	s0 =	simm.s32 @!p0 $0x0  }
0x12: {  	s1 =	sld [smem:$0x3F9E];
	s0 =	simm.s32 @p0 $0x1  }
0x13: {  	[smem:$0x3FB9] =	sst s0;
	s0 =	simm.s32 @!p1 $0x0  }
0x14: {  	s2 =	sld [smem:$0x3F9D];
	s0 =	simm.s32 @p1 $0x1  }
0x15: {  	[smem:$0x3FBA] =	sst s0;
	s0 =	simm.s32 @!p2 $0x0  }
0x16: {  	s3 =	sld [smem:$0x3FDB];
	s0 =	simm.s32 @p2 $0x1  }
0x17: {  	s4 =	simm.s32 $0x1BF5;
	[smem:$0x3FBC] =	sst s0  }
0x18: {  	s0 =	sld [smem:$0x3F9F];
	_ =	swait.ge [sflag:s4], $0x0  }
0x19: {  	s7 =	sld [smem:$0x3FA0]  }
0x1a: {  	s8 =	sadd.s32 $0xFFFFE003, lr  }
0x1b: {  	s9 =	sadd.s32 $0xFFFFFEF7, lr;
	s5 =	simm.s32 $0xFFFFFFFF;
	p2 =	slt.u32 s8, $0xFFFFF086  }
0x1c: {  	p1 =	slt.u32 s9, $0xF7A;
	s5 =	simm.s32 @!p2 $0x0  }
0x1d: {  	s5 =	simm.s32 @p1 $0x1;
	p0 =	seq.s32 s7, s2  }
0x1e: {  	s7 =	smul.u32 @!p0 $0xF7A, s2;
	p2 =	seq.s32 @!p0 s5, $0x0  }
0x1f: {  	s9 =	smul.u32 $0xF7A, s1;
	s8 =	simm.s32 @!p0 $0x1BF5;
	p2 =	por !p2, p0  }
0x20: {  	[sflag:s8] =	ssyncset.s32 @!p0 $0xFFFFF086;
	s6 =	sadd.s32 @!p0 s3, s7;
	s7 =	simm.s32 @!p0 $0x108  }
0x21: {  	s3 =	sadd.s32 s3, s9;
	s6 =	sadd.s32 @!p0 $0x88, s6;
	s7 =	simm.s32 @p2 $0x1082  }
0x22: {  	[simem:s7], [sflag:s8] =	dma.local @!p0 [hbm:s6], $0xF7A  }
0x23: {  	s9 =	sor.u32 $0xD0000000, s2;
	s6 =	simm.s32 $0x108;
	_ =	swait.ge @!p0 [sflag:s8], $0x0  }
0x24: {  	s3 =	sadd.s32 $0x88, s3;
	s6 =	simm.s32 @!p1 $0x1082;
	[sflag:s4] =	ssyncset.s32 $0xFFFFF086  }
0x25: {  	[simem:s6], [sflag:s4] =	dma.local [hbm:s3], $0xF7A  }
0x26: {  	[smem:$0x3FA0] =	sst s1;
	(tag) =	ssettag s2;
	_ =	strace s9  }
0x27: {  	s1 =	sld [smem:$0x3FB0]  }
0x28: {  	s2 =	sld [smem:$0x3FB1]  }
0x29: {  	s4 =	sld [smem:$0x3FB3]  }
0x2a: {  	p0 =	seq.s32 s5, $0x0;
	s5 =	sld [smem:$0x3FB4]  }
0x2b: {  	s6 =	sld [smem:$0x3FB5]  }
0x2c: {  	s7 =	sld [smem:$0x3FB6]  }
0x2d: {  	s3 =	simm.s32 $0x108;
	s8 =	sld [smem:$0x3FB7]  }
0x2e: {  	s3 =	simm.s32 @!p0 $0x1082;
	s9 =	sld [smem:$0x3FB8]  }
0x2f: {  	lr =	sadd.s32 s0, s3;
	s0 =	sld [smem:$0x3FAF]  }
0x30: {  	s3 =	sld [smem:$0x3FB2]  }
0x31: {  	[smem:$0x3FBB] =	sst s10  }
0x32: {  	s10 =	sld [smem:$0x3FB9];
	_ =	sdelay $0x3  }
0x33: {  	p0 =	seq.s32 s10, $0x1;
	s10 =	sld [smem:$0x3FBB];
	_ =	sdelay $0x3  }
0x34: {  	[smem:$0x3FBB] =	sst s10  }
0x35: {  	s10 =	sld [smem:$0x3FBA];
	_ =	sdelay $0x3  }
0x36: {  	p1 =	seq.s32 s10, $0x1;
	s10 =	sld [smem:$0x3FBB];
	_ =	sdelay $0x3  }
0x37: {  	[smem:$0x3FBB] =	sst s10  }
0x38: {  	s10 =	sld [smem:$0x3FBC]  }
0x39: {  	_ = 	snop;
	(pc) =	sbr.ind lr, $3  }
0x3a: {  	_ = 	snop  }
0x3b: {  	_ = 	snop  }
0x3c: {  	p2 =	seq.s32 s10, $0x1;
	s10 =	sld [smem:$0x3FBB]  }
0x3d: {  	_ =	shalt  }
0x3e: {  	_ =	shalt  }
0x3f: {  	_ =	shalt  }
0x40: {  	_ =	shalt  }
0x41: {  	_ =	shalt  }
0x42: {  	_ =	shalt  }
0x43: {  	_ =	shalt  }
0x44: {  	_ =	shalt  }
0x45: {  	_ =	shalt  }
0x46: {  	_ =	shalt  }
0x47: {  	_ =	shalt  }
0x48: {  	_ =	shalt  }
0x49: {  	_ =	shalt  }
0x4a: {  	_ =	shalt  }
0x4b: {  	_ =	shalt  }
0x4c: {  	_ =	shalt  }
0x4d: {  	_ =	shalt  }
0x4e: {  	_ =	shalt  }
0x4f: {  	_ =	shalt  }
0x50: {  	_ =	shalt  }
0x51: {  	_ =	shalt  }
0x52: {  	_ =	shalt  }
0x53: {  	_ =	shalt  }
0x54: {  	_ =	shalt  }
0x55: {  	_ =	shalt  }
0x56: {  	_ =	shalt  }
0x57: {  	_ =	shalt  }
0x58: {  	_ =	shalt  }
0x59: {  	_ =	shalt  }
0x5a: {  	_ =	shalt  }
0x5b: {  	_ =	shalt  }
0x5c: {  	_ =	shalt  }
0x5d: {  	_ =	shalt  }
0x5e: {  	_ =	shalt  }
0x5f: {  	_ =	shalt  }
0x60: {  	_ =	shalt  }
0x61: {  	_ =	shalt  }
0x62: {  	_ =	shalt  }
0x63: {  	_ =	shalt  }
0x64: {  	_ =	shalt  }
0x65: {  	_ =	shalt  }
0x66: {  	_ =	shalt  }
0x67: {  	_ =	shalt  }
0x68: {  	_ =	shalt  }
0x69: {  	_ =	shalt  }
0x6a: {  	_ =	shalt  }
0x6b: {  	_ =	shalt  }
0x6c: {  	_ =	shalt  }
0x6d: {  	_ =	shalt  }
0x6e: {  	_ =	shalt  }
0x6f: {  	_ =	shalt  }
0x70: {  	_ =	shalt  }
0x71: {  	_ =	shalt  }
0x72: {  	_ =	shalt  }
0x73: {  	_ =	shalt  }
0x74: {  	_ =	shalt  }
0x75: {  	_ =	shalt  }
0x76: {  	_ =	shalt  }
0x77: {  	_ =	shalt  }
0x78: {  	_ =	shalt  }
0x79: {  	_ =	shalt  }
0x7a: {  	_ =	shalt  }
0x7b: {  	_ =	shalt  }
0x7c: {  	_ =	shalt  }
0x7d: {  	_ =	shalt  }
0x7e: {  	_ =	shalt  }
0x7f: {  	_ =	shalt  }
0x80: {  	_ =	shalt  }
0x81: {  	_ =	shalt  }
0x82: {  	_ =	shalt  }
0x83: {  	_ =	shalt  }
0x84: {  	_ =	shalt  }
0x85: {  	_ =	shalt  }
0x86: {  	_ =	shalt  }
0x87: {  	_ =	shalt  }
.Lfunc_end0:
.L_simem_size_0:
called_computation.2_lowered:
.L_overlay_start_0:
0x88: {  	s2 =	sld [smem:$0x3FD9]  }
0x89: {  	s3 =	sld [smem:$0x3FFE];
	_ =	sdelay $0x1  }
0x8a: {  	s1 =	srdreg.scid  }
0x8b: {  	s0 =	sand.u32 $0x1, s1  }
0x8c: {  	s17 =	sshll.u32 s0, $0xA;
	s2 =	sadd.s32 s3, s2  }
0x8d: {  	s2 =	sadd.s32 s2, s17  }
0x8e: {  	[smem:$0x3FC7] =	sst s2  }
0x8f: {  	_ = 	snop  }
0x90: {  	s2 =	sld [smem:$0x3FD0];
	(tm) =	ssettm $0x1  }
0x91: {  	s18 =	sld [smem:$0x3FFB];
	_ =	sdelay $0x3  }
0x92: {  	_ =	strace s18  }
0x93: {  	s3 =	sld [smem:$0x3FFC];
	_ =	sdelay $0x3  }
0x94: {  	_ =	strace s3  }
0x95: {  	s3 =	sld [smem:$0x3FFD];
	_ =	sdelay $0x3  }
0x96: {  	_ =	strace s3  }
0x97: {  	_ =	strace $0x8FFFFFFF  }
0x98: {  	s19 =	sld [smem:$0x3FDB];
	_ =	sdelay $0x1  }
0x99: {  	s4 =	simm.s32 $_scs_section_size  }
0x9a: {  	s5 =	simm.s32 $_size__tile_overlayer_lowered;
	s6 =	simm.s32 $_tile_overlayer_lowered  }
0x9b: {  	s22 =	simm.s32 $0x1BFF;
	s21 =	sshll.u32 s6, $0x1;
	s3 =	sadd.s32 s4, s19  }
0x9c: {  	s7 =	simm.s32 $0x0;
	s20 =	sshll.u32 s5, $0x1;
	s5 =	sadd.s32 s21, s3  }
0x9d: {  	[timem:s7], [sflag:s22] =	dma.local [hbm:s5], s20  }
0x9e: {  	_ =	swait.ge [sflag:s22], s20  }
0x9f: {  	s4 =	ssub.s32 $0x0, s20;
	[sflag:s22] =	ssyncset.done $0x0  }
0xa0: {  	[sflag:s22] =	ssyncadd.s32 s4;
	_ =	sdelay $0x1  }
0xa1: {  	s23 =	simm.s32 $0x1B8B  }
0xa2: {  	_ =	swait.ge [sflag:s23], $0x1  }
0xa3: {  	[sflag:s23] =	ssyncset.done $0x0  }
0xa4: {  	s25 =	simm.s32 $0x1B8E;
	s24 =	sld [smem:$0x3FFE];
	[sflag:s23] =	ssyncadd.s32 $0xFFFFFFFF  }
0xa5: {  	s26 =	simm.s32 $execute0_lowered;
	[smem:$0x3FD2] =	sst s25  }
0xa6: {  	s5 =	sshll.u32 s26, $0x1;
	_ =	strace $0x8000004C;
	[dreg:$0x1] =	wrdreg $0xFFFFFFFF  }
0xa7: {  	s28 =	simm.s32 $_size_execute0_lowered;
	s3 =	sadd.s32 s3, s5;
	[dreg:$0x0] =	wrdreg $0x0  }
0xa8: {  	s5 =	sshll.u32 s28, $0x1;
	[dreg:$0x2] =	wrdreg s3  }
0xa9: {  	[dreg:$0x3] =	wrdreg s5  }
0xaa: {  	[dreg:$0x4] =	wrdreg $0xC0  }
0xab: {  	_ =	task [dreg:s7], $0x5FFFF  }
0xac: {  	[dreg:$0x1] =	wrdreg $0xFFFFFFFF  }
0xad: {  	[dreg:$0x0] =	wrdreg $0x60  }
0xae: {  	[dreg:$0x2] =	wrdreg s2  }
0xaf: {  	[dreg:$0x3] =	wrdreg s24  }
0xb0: {  	[dreg:$0x4] =	wrdreg $0x9  }
0xb1: {  	_ =	task.clear_ibuf [dreg:s7], $0x5FFFF;
	_ =	strace $0x9000004C  }
0xb2: {  	s29 =	simm.s32 $0x9;
	_ =	strace $0x8000004E  }
0xb3: {  	_ =	swait.ge [sflag:s29], $0x1  }
0xb4: {  	[sflag:s29] =	ssyncadd.s32 $0xFFFFFFFF  }
0xb5: {  	_ =	strace $0x9000004E  }
0xb6: {  	_ =	sfence  }
0xb7: {  	s30 =	sld [smem:$0x0];
	_ =	sdelay $0x2  }
0xb8: {  	s31 =	sshll.u32 s1, $0xD;
	s1 =	sshrl.u32 s1, $0x2  }
0xb9: {  	s3 =	sand.u32 $0x4000, s31;
	s1 =	sadd.s32 s1, s30  }
0xba: {  	s0 =	sor.u32 s3, s0;
	s1 =	sshll.u32 s1, $0x11  }
0xbb: {  	s0 =	sor.u32 s1, s0  }
0xbc: {  	s0 =	sadd.s32 $0x8F2B, s0  }
0xbd: {  	[sflag:s0] =	ssyncadd.remote.s32 $0x1  }
0xbe: {  	_ =	sfence.sel $0xFFFF  }
0xbf: {  	[dreg:$0x0] =	wrdreg $0xFFFFFFFF;
	(pc) =	sbr.abs _section_cstart, $3  }
0xc0: {  	[dreg:$0x1] =	wrdreg $0xFFFFFFFF  }
0xc1: {  	_ =	task.clear_ibuf [dreg:s7], $0x2FFFF;
	_ =	strace $0x9FFFFFFF  }
0xc2: {  	(tm) =	ssettm $0x7FFFFFFF  }
0xc3: {  	_ =	shalt  }
tec
execute0_lowered:
.L_overlay_start_1:
0x0: {  	(tag) =	ssettag $0x1  }
0x1: {  	s4 =	rddreg [dreg:$0x0]  }
0x2: {  	s5 =	rddreg [dreg:$0x1]  }
0x3: {  	s0 =	rddreg [dreg:$0x2];
	s1 =	simm.s32 $0x0;
	s2 =	srdreg.scid  }
0x4: {  	s11 =	simm.s32 $0x400;
	s12 =	simm.s32 $0x0;
	[smem:$0x7FF] =	sst s1  }
0x5: {  	s6 =	sand.u32 $0x1, s2;
	s3 =	sadd.s32 $0x1400, s5;
	s2 =	stileid.u32  }
0x6: {  	_ =	strace $0x8000004D;
	s7 =	sshll.u32 s6, $0x11;
	s29 =	ssub.s32 $0x2, s6  }
0x7: {  	s8 =	sshll.u32 s2, $0xD;
	s10 =	sshll.u32 s2, $0x4;
	s31 =	sshll.u32 s2, $0x11  }
0x8: {  	p0 =	seq.s32 s6, $0x0;
	s5 =	sadd.s32 s7, s5;
	s9 =	sshrl.u32 s29, $0x1  }
0x9: {  	s8 =	sand.u32 $0x10000, s8;
	s30 =	sand.u32 $0x70, s10;
	s4 =	sadd.s32 s4, s31  }
0xa: {  	s10 =	simm.s32 $0x80;
	s7 =	ssub.s32 s29, s9;
	s5 =	sadd.s32 s8, s5  }
0xb: {  	s8 =	simm.s32 $0x1;
	s9 =	simm.s32 $0x4000;
	s5 =	sadd.s32 s30, s5  }
0xc: {  	v0 =	vimm.s32 $0x0;
	v1 =	vimm.s32 $0x1;
	s6 =	smax.u32 s7, $0x1;
	s7 =	simm.s32 $0x14000;
	s5 =	sadd.s32 $0x1600, s5  }
.LBB2_1:
0xd: {  	[tilespmem:s7], [sflag:$0x1] =	stream.linear.gather [hbm4b:s3+s1], $0x400, $0x38;
	[tilespmem:$0x14400] =	vst v63  }
0xe: {  	_ =	swait.ge [sflag:s8], $0x400  }
0xf: {  	[sflag:s8] =	ssyncset.done $0x0  }
0x10: {  	[sflag:s8] =	ssyncadd.s32 $0xFFFFFC00  }
0x11: {  	v2 =	vld [tilespmem:$0x14000]  }
0x12: {  	s13 =	simm.s32 $0x40;
	s14 =	simm.s32 $0x0;
	v3 =	vld [tilespmem:$0x14080]  }
.LBB2_2:
0x13: {  	p1 =	sne.s32 s13, $0x3FFC0;
	[tilespmem:s14+$0x4000] =	vst v0;
	s14 =	smov.u32 s13;
	s13 =	sadd.s32 $0x40, s13  }
.Ltmp0:
0x14: {  	(pc) =	sbr.rel @p1 .LBB2_2-.Ltmp0, $2  }
0x15: {  	_ =	sdelay $0x2  }
0x16: {  	s14 =	sshra.s32 s14, $0x2  }
0x17: {  	[tilespmem:s14+$0x4000] =	vst v0;
	v2 =	vpsel p0, v2, v3;
	s13 =	simm.s32 $0x0;
	s14 =	simm.s32 $0x0  }
.LBB2_4:
0x18: {  	s15 =	sshll.u32 s14, $0xB  }
0x19: {  	s15 =	sadd.s32 s15, s4  }
0x1a: {  	[tilespmem:s13], [sflag:$0x1] =	stream.linear.gather [hbm4b:s15+s13], $0x4000, $0x38;
	[tilespmem:$0x14400] =	vst v63  }
0x1b: {  	_ =	swait.ge [sflag:s8], $0x4000  }
0x1c: {  	[sflag:s8] =	ssyncset.done $0x0  }
0x1d: {  	s16 =	simm.s32 $0x0;
	s15 =	simm.s32 $0x40;
	[sflag:s8] =	ssyncadd.s32 $0xFFFFC000  }
.LBB2_5:
0x1e: {  	p1 =	sne.s32 s15, $0xFFC0;
	v3 =	vld [tilespmem:s16+$0x0];
	_ =	sdelay $0x4  }
0x1f: {  	v4 =	vshra.s32 v3, $0x1F  }
0x20: {  	v4 =	vor.u32 $0x80000000, v4  }
0x21: {  	v3 =	vxor.u32 v3, v4  }
0x22: {  	v4 =	vshrl.u32 v3, $0x10  }
0x23: {  	v3 =	vand.u32 $0xFFFF, v3;
	vm0 =	veq.s32 v4, v2  }
0x24: {  	v3 =	vnsel vm0, $0x0, v3  }
.Ltmp1:
0x25: {  	(pc) =	sbr.rel @p1 .LBB2_5-.Ltmp1, $2  }
0x26: {  	_ =	sdelay $0x2  }
0x27: {  	s16 =	sshra.s32 s15, $0x2;
	s15 =	sadd.s32 $0x40, s15;
	[tilespmem:v3+s9+$0x0] =	vst.idx.add.s32.msk vm0, v1  }
0x28: {  	v3 =	vld [tilespmem:s16+$0x0];
	_ =	sdelay $0x4  }
0x29: {  	v4 =	vshra.s32 v3, $0x1F  }
0x2a: {  	v4 =	vor.u32 $0x80000000, v4  }
0x2b: {  	v3 =	vxor.u32 v3, v4  }
0x2c: {  	v4 =	vshrl.u32 v3, $0x10  }
0x2d: {  	s14 =	sadd.s32 $0x1, s14;
	v3 =	vand.u32 $0xFFFF, v3;
	vm0 =	veq.s32 v4, v2  }
0x2e: {  	p1 =	sne.s32 s14, $0x40;
	v3 =	vnsel vm0, $0x0, v3  }
.Ltmp2:
0x2f: {  	_ = 	snop;
	(pc) =	sbr.rel @p1 .LBB2_4-.Ltmp2, $2  }
0x30: {  	_ =	sdelay $0x2  }
0x31: {  	[tilespmem:v3+s9+$0x0] =	vst.idx.add.s32.msk vm0, v1  }
0x32: {  	s12 =	sadd.s32 $0x1, s12  }
0x33: {  	p1 =	sne.s32 s12, s6  }
.Ltmp3:
0x34: {  	_ = 	snop;
	(pc) =	sbr.rel @p1 .LBB2_1-.Ltmp3, $4  }
0x35: {  	[hbm4b:s5+s10] =	stream.strided.scatter [tilespmem:s9], [sflag:$0x1], $0x10000, s11, s10, $0x38;
	[tilespmem:$0x14400] =	vst v63  }
0x36: {  	_ =	swait.ge [sflag:s8], $0x10000  }
0x37: {  	[sflag:s8] =	ssyncset.done $0x0  }
0x38: {  	[sflag:s8] =	ssyncadd.s32 $0xFFFF0000  }
0x39: {  	_ =	sfence.sel $0x180000  }
0x3a: {  	[bflag:$0x0] =	sbarrier.arrive $0xFFFF  }
0x3b: {  	p0 =	sne.s32 s2, $0x0;
	_ =	strace $0x9000004D  }
0x3c: {  	s0 =	sadd.s32 @!p0 $0x100000, s0;
	[bflag:$0x2] =	sbarrier.arrive $0xFFFF  }
0x3d: {  	[sflag:s0] =	ssyncadd.tile.s32 @!p0 $0x1;
	_ =	shalt  }
.Lfunc_end2:
_tile_overlayer_lowered:
.L_overlay_start_2:
0x3e: {  	(tag) =	ssettag $0x2  }
0x3f: {  	s0 =	rddreg [dreg:$0x0];
	s2 =	stileid.u32  }
0x40: {  	s1 =	rddreg [dreg:$0x1];
	p0 =	sne.s32 s2, $0x0  }
0x41: {  	s3 =	rddreg [dreg:$0x2];
	[bflag:$0x3] =	sbarrier.arrive $0xFFFF;
	s2 =	simm.s32 @!p0 $0x1C01  }
0x42: {  	[timem:s3], [sflag:s2] =	dma.local @!p0 [hbm:s0], s1  }
0x43: {  	s0 =	simm.s32 @!p0 $0x1  }
0x44: {  	_ =	swait.ge @!p0 [sflag:s0], s1  }
0x45: {  	s1 =	ssub.s32 @!p0 $0x0, s1;
	[sflag:s0] =	ssyncset.done @!p0 $0x0  }
0x46: {  	[sflag:s0] =	ssyncadd.s32 @!p0 s1  }
0x47: {  	[bflag:$0x3] =	sbarrier.arrive $0xFFFF  }
0x48: {  	_ =	shalt  }

// kernel: kernel.7.cloned.1.call-start
scs
__scs_entry_jumppad:
0x0: {  	(pc) =	sbr.rel $0x88, $3  }
0x1: {  	(tag) =	ssettag $0x0;
	lr =	simm.s32 $0x1  }
0x2: {  	[smem:$0x3FA0] =	sst lr;
	_ =	strace $0xD0000000  }
0x3: {  	_ = 	snop  }
0x4: {  	_ = 	snop  }
0x5: {  	_ = 	snop  }
0x6: {  	_ = 	snop  }
0x7: {  	_ = 	snop  }
__scs_overlays_trampoline_lowered:
0x8: {  	[smem:$0x3FAF] =	sst s0  }
0x9: {  	[smem:$0x3FB0] =	sst s1  }
0xa: {  	[smem:$0x3FB1] =	sst s2  }
0xb: {  	[smem:$0x3FB2] =	sst s3  }
0xc: {  	[smem:$0x3FB3] =	sst s4  }
0xd: {  	[smem:$0x3FB4] =	sst s5  }
0xe: {  	[smem:$0x3FB5] =	sst s6  }
0xf: {  	[smem:$0x3FB6] =	sst s7  }
0x10: {  	[smem:$0x3FB7] =	sst s8  }
0x11: {  	[smem:$0x3FB8] =	sst s9;
	s0 =	simm.s32 @!p0 $0x0  }
0x12: {  	s1 =	sld [smem:$0x3F9E];
	s0 =	simm.s32 @p0 $0x1  }
0x13: {  	[smem:$0x3FB9] =	sst s0;
	s0 =	simm.s32 @!p1 $0x0  }
0x14: {  	s2 =	sld [smem:$0x3F9D];
	s0 =	simm.s32 @p1 $0x1  }
0x15: {  	[smem:$0x3FBA] =	sst s0;
	s0 =	simm.s32 @!p2 $0x0  }
0x16: {  	s3 =	sld [smem:$0x3FDB];
	s0 =	simm.s32 @p2 $0x1  }
0x17: {  	s4 =	simm.s32 $0x1BF5;
	[smem:$0x3FBC] =	sst s0  }
0x18: {  	s0 =	sld [smem:$0x3F9F];
	_ =	swait.ge [sflag:s4], $0x0  }
0x19: {  	s7 =	sld [smem:$0x3FA0]  }
0x1a: {  	s8 =	sadd.s32 $0xFFFFE003, lr  }
0x1b: {  	s9 =	sadd.s32 $0xFFFFFEF7, lr;
	s5 =	simm.s32 $0xFFFFFFFF;
	p2 =	slt.u32 s8, $0xFFFFF086  }
0x1c: {  	p1 =	slt.u32 s9, $0xF7A;
	s5 =	simm.s32 @!p2 $0x0  }
0x1d: {  	s5 =	simm.s32 @p1 $0x1;
	p0 =	seq.s32 s7, s2  }
0x1e: {  	s7 =	smul.u32 @!p0 $0xF7A, s2;
	p2 =	seq.s32 @!p0 s5, $0x0  }
0x1f: {  	s9 =	smul.u32 $0xF7A, s1;
	s8 =	simm.s32 @!p0 $0x1BF5;
	p2 =	por !p2, p0  }
0x20: {  	[sflag:s8] =	ssyncset.s32 @!p0 $0xFFFFF086;
	s6 =	sadd.s32 @!p0 s3, s7;
	s7 =	simm.s32 @!p0 $0x108  }
0x21: {  	s3 =	sadd.s32 s3, s9;
	s6 =	sadd.s32 @!p0 $0x88, s6;
	s7 =	simm.s32 @p2 $0x1082  }
0x22: {  	[simem:s7], [sflag:s8] =	dma.local @!p0 [hbm:s6], $0xF7A  }
0x23: {  	s9 =	sor.u32 $0xD0000000, s2;
	s6 =	simm.s32 $0x108;
	_ =	swait.ge @!p0 [sflag:s8], $0x0  }
0x24: {  	s3 =	sadd.s32 $0x88, s3;
	s6 =	simm.s32 @!p1 $0x1082;
	[sflag:s4] =	ssyncset.s32 $0xFFFFF086  }
0x25: {  	[simem:s6], [sflag:s4] =	dma.local [hbm:s3], $0xF7A  }
0x26: {  	[smem:$0x3FA0] =	sst s1;
	(tag) =	ssettag s2;
	_ =	strace s9  }
0x27: {  	s1 =	sld [smem:$0x3FB0]  }
0x28: {  	s2 =	sld [smem:$0x3FB1]  }
0x29: {  	s4 =	sld [smem:$0x3FB3]  }
0x2a: {  	p0 =	seq.s32 s5, $0x0;
	s5 =	sld [smem:$0x3FB4]  }
0x2b: {  	s6 =	sld [smem:$0x3FB5]  }
0x2c: {  	s7 =	sld [smem:$0x3FB6]  }
0x2d: {  	s3 =	simm.s32 $0x108;
	s8 =	sld [smem:$0x3FB7]  }
0x2e: {  	s3 =	simm.s32 @!p0 $0x1082;
	s9 =	sld [smem:$0x3FB8]  }
0x2f: {  	lr =	sadd.s32 s0, s3;
	s0 =	sld [smem:$0x3FAF]  }
0x30: {  	s3 =	sld [smem:$0x3FB2]  }
0x31: {  	[smem:$0x3FBB] =	sst s10  }
0x32: {  	s10 =	sld [smem:$0x3FB9];
	_ =	sdelay $0x3  }
0x33: {  	p0 =	seq.s32 s10, $0x1;
	s10 =	sld [smem:$0x3FBB];
	_ =	sdelay $0x3  }
0x34: {  	[smem:$0x3FBB] =	sst s10  }
0x35: {  	s10 =	sld [smem:$0x3FBA];
	_ =	sdelay $0x3  }
0x36: {  	p1 =	seq.s32 s10, $0x1;
	s10 =	sld [smem:$0x3FBB];
	_ =	sdelay $0x3  }
0x37: {  	[smem:$0x3FBB] =	sst s10  }
0x38: {  	s10 =	sld [smem:$0x3FBC]  }
0x39: {  	_ = 	snop;
	(pc) =	sbr.ind lr, $3  }
0x3a: {  	_ = 	snop  }
0x3b: {  	_ = 	snop  }
0x3c: {  	p2 =	seq.s32 s10, $0x1;
	s10 =	sld [smem:$0x3FBB]  }
0x3d: {  	_ =	shalt  }
0x3e: {  	_ =	shalt  }
0x3f: {  	_ =	shalt  }
0x40: {  	_ =	shalt  }
0x41: {  	_ =	shalt  }
0x42: {  	_ =	shalt  }
0x43: {  	_ =	shalt  }
0x44: {  	_ =	shalt  }
0x45: {  	_ =	shalt  }
0x46: {  	_ =	shalt  }
0x47: {  	_ =	shalt  }
0x48: {  	_ =	shalt  }
0x49: {  	_ =	shalt  }
0x4a: {  	_ =	shalt  }
0x4b: {  	_ =	shalt  }
0x4c: {  	_ =	shalt  }
0x4d: {  	_ =	shalt  }
0x4e: {  	_ =	shalt  }
0x4f: {  	_ =	shalt  }
0x50: {  	_ =	shalt  }
0x51: {  	_ =	shalt  }
0x52: {  	_ =	shalt  }
0x53: {  	_ =	shalt  }
0x54: {  	_ =	shalt  }
0x55: {  	_ =	shalt  }
0x56: {  	_ =	shalt  }
0x57: {  	_ =	shalt  }
0x58: {  	_ =	shalt  }
0x59: {  	_ =	shalt  }
0x5a: {  	_ =	shalt  }
0x5b: {  	_ =	shalt  }
0x5c: {  	_ =	shalt  }
0x5d: {  	_ =	shalt  }
0x5e: {  	_ =	shalt  }
0x5f: {  	_ =	shalt  }
0x60: {  	_ =	shalt  }
0x61: {  	_ =	shalt  }
0x62: {  	_ =	shalt  }
0x63: {  	_ =	shalt  }
0x64: {  	_ =	shalt  }
0x65: {  	_ =	shalt  }
0x66: {  	_ =	shalt  }
0x67: {  	_ =	shalt  }
0x68: {  	_ =	shalt  }
0x69: {  	_ =	shalt  }
0x6a: {  	_ =	shalt  }
0x6b: {  	_ =	shalt  }
0x6c: {  	_ =	shalt  }
0x6d: {  	_ =	shalt  }
0x6e: {  	_ =	shalt  }
0x6f: {  	_ =	shalt  }
0x70: {  	_ =	shalt  }
0x71: {  	_ =	shalt  }
0x72: {  	_ =	shalt  }
0x73: {  	_ =	shalt  }
0x74: {  	_ =	shalt  }
0x75: {  	_ =	shalt  }
0x76: {  	_ =	shalt  }
0x77: {  	_ =	shalt  }
0x78: {  	_ =	shalt  }
0x79: {  	_ =	shalt  }
0x7a: {  	_ =	shalt  }
0x7b: {  	_ =	shalt  }
0x7c: {  	_ =	shalt  }
0x7d: {  	_ =	shalt  }
0x7e: {  	_ =	shalt  }
0x7f: {  	_ =	shalt  }
0x80: {  	_ =	shalt  }
0x81: {  	_ =	shalt  }
0x82: {  	_ =	shalt  }
0x83: {  	_ =	shalt  }
0x84: {  	_ =	shalt  }
0x85: {  	_ =	shalt  }
0x86: {  	_ =	shalt  }
0x87: {  	_ =	shalt  }
.Lfunc_end0:
.L_simem_size_0:
called_computation.1_lowered:
.L_overlay_start_0:
0x88: {  	s2 =	sld [smem:$0x3FD9]  }
0x89: {  	s3 =	sld [smem:$0x3FFE];
	_ =	sdelay $0x1  }
0x8a: {  	s1 =	srdreg.scid  }
0x8b: {  	s0 =	sand.u32 $0x1, s1  }
0x8c: {  	s17 =	sshll.u32 s0, $0xA;
	s2 =	sadd.s32 s3, s2  }
0x8d: {  	s2 =	sadd.s32 s2, s17  }
0x8e: {  	[smem:$0x3FC7] =	sst s2  }
0x8f: {  	_ = 	snop  }
0x90: {  	s2 =	sld [smem:$0x3FD0];
	(tm) =	ssettm $0x1  }
0x91: {  	s18 =	sld [smem:$0x3FFB];
	_ =	sdelay $0x3  }
0x92: {  	_ =	strace s18  }
0x93: {  	s3 =	sld [smem:$0x3FFC];
	_ =	sdelay $0x3  }
0x94: {  	_ =	strace s3  }
0x95: {  	s3 =	sld [smem:$0x3FFD];
	_ =	sdelay $0x3  }
0x96: {  	_ =	strace s3  }
0x97: {  	_ =	strace $0x8FFFFFFF  }
0x98: {  	s19 =	sld [smem:$0x3FDB];
	_ =	sdelay $0x1  }
0x99: {  	s4 =	simm.s32 $_scs_section_size  }
0x9a: {  	s5 =	simm.s32 $_size__tile_overlayer_lowered;
	s6 =	simm.s32 $_tile_overlayer_lowered  }
0x9b: {  	s22 =	simm.s32 $0x1BFF;
	s21 =	sshll.u32 s6, $0x1;
	s3 =	sadd.s32 s4, s19  }
0x9c: {  	s7 =	simm.s32 $0x0;
	s20 =	sshll.u32 s5, $0x1;
	s5 =	sadd.s32 s21, s3  }
0x9d: {  	[timem:s7], [sflag:s22] =	dma.local [hbm:s5], s20  }
0x9e: {  	_ =	swait.ge [sflag:s22], s20  }
0x9f: {  	s4 =	ssub.s32 $0x0, s20;
	[sflag:s22] =	ssyncset.done $0x0  }
0xa0: {  	[sflag:s22] =	ssyncadd.s32 s4;
	_ =	sdelay $0x1  }
0xa1: {  	s23 =	simm.s32 $0x1B8B  }
0xa2: {  	_ =	swait.ge [sflag:s23], $0x1  }
0xa3: {  	[sflag:s23] =	ssyncset.done $0x0  }
0xa4: {  	s25 =	simm.s32 $0x1B8E;
	s24 =	sld [smem:$0x3FFE];
	[sflag:s23] =	ssyncadd.s32 $0xFFFFFFFF  }
0xa5: {  	s26 =	simm.s32 $execute0_lowered;
	[smem:$0x3FD2] =	sst s25  }
0xa6: {  	s5 =	sshll.u32 s26, $0x1;
	_ =	strace $0x80000049;
	[dreg:$0x1] =	wrdreg $0xFFFFFFFF  }
0xa7: {  	s28 =	simm.s32 $_size_execute0_lowered;
	s3 =	sadd.s32 s3, s5;
	[dreg:$0x0] =	wrdreg $0x0  }
0xa8: {  	s5 =	sshll.u32 s28, $0x1;
	[dreg:$0x2] =	wrdreg s3  }
0xa9: {  	[dreg:$0x3] =	wrdreg s5  }
0xaa: {  	[dreg:$0x4] =	wrdreg $0xC0  }
0xab: {  	_ =	task [dreg:s7], $0x5FFFF  }
0xac: {  	[dreg:$0x1] =	wrdreg $0xFFFFFFFF  }
0xad: {  	[dreg:$0x0] =	wrdreg $0x60  }
0xae: {  	[dreg:$0x2] =	wrdreg s2  }
0xaf: {  	[dreg:$0x3] =	wrdreg s24  }
0xb0: {  	[dreg:$0x4] =	wrdreg $0x9  }
0xb1: {  	_ =	task.clear_ibuf [dreg:s7], $0x5FFFF;
	_ =	strace $0x90000049  }
0xb2: {  	s29 =	simm.s32 $0x9;
	_ =	strace $0x8000004B  }
0xb3: {  	_ =	swait.ge [sflag:s29], $0x1  }
0xb4: {  	[sflag:s29] =	ssyncadd.s32 $0xFFFFFFFF  }
0xb5: {  	_ =	strace $0x9000004B  }
0xb6: {  	_ =	sfence  }
0xb7: {  	s30 =	sld [smem:$0x0];
	_ =	sdelay $0x2  }
0xb8: {  	s31 =	sshll.u32 s1, $0xD;
	s1 =	sshrl.u32 s1, $0x2  }
0xb9: {  	s3 =	sand.u32 $0x4000, s31;
	s1 =	sadd.s32 s1, s30  }
0xba: {  	s0 =	sor.u32 s3, s0;
	s1 =	sshll.u32 s1, $0x11  }
0xbb: {  	s0 =	sor.u32 s1, s0  }
0xbc: {  	s0 =	sadd.s32 $0x8F2B, s0  }
0xbd: {  	[sflag:s0] =	ssyncadd.remote.s32 $0x1  }
0xbe: {  	_ =	sfence.sel $0xFFFF  }
0xbf: {  	[dreg:$0x0] =	wrdreg $0xFFFFFFFF;
	(pc) =	sbr.abs _section_cstart, $3  }
0xc0: {  	[dreg:$0x1] =	wrdreg $0xFFFFFFFF  }
0xc1: {  	_ =	task.clear_ibuf [dreg:s7], $0x2FFFF;
	_ =	strace $0x9FFFFFFF  }
0xc2: {  	(tm) =	ssettm $0x7FFFFFFF  }
0xc3: {  	_ =	shalt  }
tec
execute0_lowered:
.L_overlay_start_1:
0x0: {  	(tag) =	ssettag $0x1  }
0x1: {  	s1 =	srdreg.scid  }
0x2: {  	s0 =	stileid.u32;
	s4 =	rddreg [dreg:$0x0]  }
0x3: {  	s5 =	rddreg [dreg:$0x1];
	s3 =	sand.u32 $0x1, s1;
	s30 =	sshll.u32 s0, $0x1  }
0x4: {  	s2 =	simm.s32 $0x0;
	s9 =	simm.s32 $0x400;
	s1 =	sor.u32 s3, s30  }
0x5: {  	[smem:$0x7FF] =	sst s2;
	s6 =	sshll.u32 s1, $0x10;
	s7 =	sshll.u32 s1, $0x7  }
0x6: {  	s3 =	ssub.s32 $0x2, s3;
	s1 =	rddreg [dreg:$0x2];
	s7 =	sor.u32 s7, s6  }
0x7: {  	_ =	strace $0x8000004A;
	s8 =	sshrl.u32 s3, $0x1;
	s7 =	sand.u32 $0x180380, s7  }
0x8: {  	s31 =	ssub.s32 s3, s8;
	s3 =	sadd.s32 s4, s6;
	s7 =	sshrl.u32 s7, $0x3  }
0x9: {  	s6 =	simm.s32 $0x1;
	s8 =	simm.s32 $0x80;
	s5 =	sadd.s32 s7, s5  }
0xa: {  	v0 =	vimm.s32 $0x0;
	v1 =	vimm.s32 $0x1;
	s7 =	simm.s32 $0x4000;
	s4 =	sadd.s32 $0x1400, s5;
	s5 =	smax.u32 s31, $0x1  }
.LBB2_1:
0xb: {  	s10 =	simm.s32 $0x40;
	s11 =	simm.s32 $0x0  }
.LBB2_2:
0xc: {  	p0 =	sne.s32 s10, $0x3FFC0;
	[tilespmem:s11+$0x4000] =	vst v0;
	s11 =	smov.u32 s10;
	s10 =	sadd.s32 $0x40, s10  }
.Ltmp0:
0xd: {  	(pc) =	sbr.rel @p0 .LBB2_2-.Ltmp0, $2  }
0xe: {  	_ =	sdelay $0x2  }
0xf: {  	s11 =	sshra.s32 s11, $0x2  }
0x10: {  	[tilespmem:s11+$0x4000] =	vst v0;
	s10 =	simm.s32 $0x0;
	s11 =	simm.s32 $0x0  }
.LBB2_4:
0x11: {  	s12 =	sshll.u32 s11, $0xB  }
0x12: {  	s12 =	sadd.s32 s12, s3  }
0x13: {  	[tilespmem:s10], [sflag:$0x1] =	stream.linear.gather [hbm4b:s12+s10], $0x4000, $0x38;
	[tilespmem:$0x14000] =	vst v63  }
0x14: {  	_ =	swait.ge [sflag:s6], $0x4000  }
0x15: {  	[sflag:s6] =	ssyncset.done $0x0  }
0x16: {  	s13 =	simm.s32 $0x0;
	s12 =	simm.s32 $0x40;
	[sflag:s6] =	ssyncadd.s32 $0xFFFFC000  }
.LBB2_5:
0x17: {  	p0 =	sne.s32 s12, $0xFFC0;
	v2 =	vld [tilespmem:s13+$0x0];
	_ =	sdelay $0x4  }
0x18: {  	v3 =	vshra.s32 v2, $0x1F  }
0x19: {  	v3 =	vor.u32 $0x80000000, v3  }
0x1a: {  	v2 =	vxor.u32 v2, v3  }
0x1b: {  	v2 =	vshrl.u32 v2, $0x10  }
.Ltmp1:
0x1c: {  	(pc) =	sbr.rel @p0 .LBB2_5-.Ltmp1, $2  }
0x1d: {  	_ =	sdelay $0x2  }
0x1e: {  	s13 =	sshra.s32 s12, $0x2;
	s12 =	sadd.s32 $0x40, s12;
	[tilespmem:v2+s7+$0x0] =	vst.idx.add.s32.msk $0xffff, v1  }
0x1f: {  	v2 =	vld [tilespmem:s13+$0x0];
	_ =	sdelay $0x4  }
0x20: {  	v3 =	vshra.s32 v2, $0x1F  }
0x21: {  	v3 =	vor.u32 $0x80000000, v3  }
0x22: {  	s11 =	sadd.s32 $0x1, s11;
	v2 =	vxor.u32 v2, v3  }
0x23: {  	p0 =	sne.s32 s11, $0x20;
	v2 =	vshrl.u32 v2, $0x10  }
.Ltmp2:
0x24: {  	_ = 	snop;
	(pc) =	sbr.rel @p0 .LBB2_4-.Ltmp2, $2  }
0x25: {  	_ =	sdelay $0x2  }
0x26: {  	[tilespmem:v2+s7+$0x0] =	vst.idx.add.s32.msk $0xffff, v1  }
0x27: {  	s2 =	sadd.s32 $0x1, s2  }
0x28: {  	p0 =	sne.s32 s2, s5  }
.Ltmp3:
0x29: {  	_ = 	snop;
	(pc) =	sbr.rel @p0 .LBB2_1-.Ltmp3, $4  }
0x2a: {  	[hbm4b:s4+s8] =	stream.strided.scatter [tilespmem:s7], [sflag:$0x1], $0x10000, s9, s8, $0x38;
	[tilespmem:$0x14000] =	vst v63  }
0x2b: {  	_ =	swait.ge [sflag:s6], $0x10000  }
0x2c: {  	[sflag:s6] =	ssyncset.done $0x0  }
0x2d: {  	[sflag:s6] =	ssyncadd.s32 $0xFFFF0000  }
0x2e: {  	_ =	sfence.sel $0x180000  }
0x2f: {  	[bflag:$0x0] =	sbarrier.arrive $0xFFFF  }
0x30: {  	p0 =	sne.s32 s0, $0x0;
	_ =	strace $0x9000004A  }
0x31: {  	s0 =	sadd.s32 @!p0 $0x100000, s1;
	[bflag:$0x2] =	sbarrier.arrive $0xFFFF  }
0x32: {  	[sflag:s0] =	ssyncadd.tile.s32 @!p0 $0x1;
	_ =	shalt  }
.Lfunc_end2:
_tile_overlayer_lowered:
.L_overlay_start_2:
0x33: {  	(tag) =	ssettag $0x2  }
0x34: {  	s0 =	rddreg [dreg:$0x0];
	s2 =	stileid.u32  }
0x35: {  	s1 =	rddreg [dreg:$0x1];
	p0 =	sne.s32 s2, $0x0  }
0x36: {  	s3 =	rddreg [dreg:$0x2];
	[bflag:$0x3] =	sbarrier.arrive $0xFFFF;
	s2 =	simm.s32 @!p0 $0x1C01  }
0x37: {  	[timem:s3], [sflag:s2] =	dma.local @!p0 [hbm:s0], s1  }
0x38: {  	s0 =	simm.s32 @!p0 $0x1  }
0x39: {  	_ =	swait.ge @!p0 [sflag:s0], s1  }
0x3a: {  	s1 =	ssub.s32 @!p0 $0x0, s1;
	[sflag:s0] =	ssyncset.done @!p0 $0x0  }
0x3b: {  	[sflag:s0] =	ssyncadd.s32 @!p0 s1  }
0x3c: {  	[bflag:$0x3] =	sbarrier.arrive $0xFFFF  }
0x3d: {  	_ =	shalt  }

// kernel: sparse-core-data-format-call.cloned.1.call-start
scs
called_computation_lowered:
.L_overlay_start_0:
0x0: {  	s2 =	sld [smem:$0x3FD9]  }
0x1: {  	s3 =	sld [smem:$0x3FFE];
	_ =	sdelay $0x1  }
0x2: {  	s1 =	srdreg.scid  }
0x3: {  	s0 =	sand.u32 $0x1, s1  }
0x4: {  	s19 =	sshll.u32 s0, $0xA;
	s2 =	sadd.s32 s3, s2  }
0x5: {  	s2 =	sadd.s32 s2, s19  }
0x6: {  	[smem:$0x3FC7] =	sst s2  }
0x7: {  	_ = 	snop  }
0x8: {  	s2 =	sld [smem:$0x3FC9]  }
0x9: {  	s20 =	sld [smem:$0x3FD0];
	(tm) =	ssettm $0x1  }
0xa: {  	s4 =	sld [smem:$0x3FFB];
	_ =	sdelay $0x3  }
0xb: {  	_ =	strace s4  }
0xc: {  	s4 =	sld [smem:$0x3FFC];
	_ =	sdelay $0x3  }
0xd: {  	_ =	strace s4  }
0xe: {  	s4 =	sld [smem:$0x3FFD];
	_ =	sdelay $0x3  }
0xf: {  	_ =	strace s4  }
0x10: {  	_ =	strace $0x8FFFFFFF  }
0x11: {  	s21 =	sld [smem:$0x3FDB];
	_ =	sdelay $0x1  }
0x12: {  	s5 =	simm.s32 $_scs_section_size  }
0x13: {  	s6 =	simm.s32 $_size__tile_overlayer_lowered;
	s7 =	simm.s32 $_tile_overlayer_lowered  }
0x14: {  	s24 =	simm.s32 $0x1BFF;
	s23 =	sshll.u32 s7, $0x1;
	s4 =	sadd.s32 s5, s21  }
0x15: {  	s8 =	simm.s32 $0x0;
	s22 =	sshll.u32 s6, $0x1;
	s6 =	sadd.s32 s23, s4  }
0x16: {  	[timem:s8], [sflag:s24] =	dma.local [hbm:s6], s22  }
0x17: {  	_ =	swait.ge [sflag:s24], s22  }
0x18: {  	s5 =	ssub.s32 $0x0, s22;
	[sflag:s24] =	ssyncset.done $0x0  }
0x19: {  	[sflag:s24] =	ssyncadd.s32 s5;
	_ =	sdelay $0x1  }
0x1a: {  	s25 =	simm.s32 $0x1B8B  }
0x1b: {  	_ =	swait.ge [sflag:s25], $0x1  }
0x1c: {  	[sflag:s25] =	ssyncset.done $0x0  }
0x1d: {  	s26 =	simm.s32 $0x1B8E;
	[sflag:s25] =	ssyncadd.s32 $0xFFFFFFFF  }
0x1e: {  	s27 =	simm.s32 $execute0_lowered;
	[smem:$0x3FD2] =	sst s26  }
0x1f: {  	s5 =	sshll.u32 s27, $0x1;
	_ =	strace $0x80000046;
	[dreg:$0x1] =	wrdreg $0xFFFFFFFF  }
0x20: {  	s28 =	simm.s32 $_size_execute0_lowered;
	s4 =	sadd.s32 s4, s5;
	[dreg:$0x0] =	wrdreg $0x0  }
0x21: {  	s5 =	sshll.u32 s28, $0x1;
	[dreg:$0x2] =	wrdreg s4  }
0x22: {  	[dreg:$0x3] =	wrdreg s5  }
0x23: {  	[dreg:$0x4] =	wrdreg $0xC0  }
0x24: {  	_ =	task [dreg:s8], $0x5FFFF  }
0x25: {  	[dreg:$0x1] =	wrdreg $0xFFFFFFFF  }
0x26: {  	[dreg:$0x0] =	wrdreg $0x60  }
0x27: {  	[dreg:$0x2] =	wrdreg s2  }
0x28: {  	[dreg:$0x3] =	wrdreg s20  }
0x29: {  	[dreg:$0x4] =	wrdreg $0x9  }
0x2a: {  	_ =	task.clear_ibuf [dreg:s8], $0x5FFFF;
	_ =	strace $0x90000046  }
0x2b: {  	s29 =	simm.s32 $0x9;
	_ =	strace $0x80000048  }
0x2c: {  	_ =	swait.ge [sflag:s29], $0x1  }
0x2d: {  	[sflag:s29] =	ssyncadd.s32 $0xFFFFFFFF  }
0x2e: {  	_ =	strace $0x90000048  }
0x2f: {  	_ =	sfence  }
0x30: {  	s30 =	sld [smem:$0x0];
	_ =	sdelay $0x2  }
0x31: {  	s31 =	sshll.u32 s1, $0xD;
	s1 =	sshrl.u32 s1, $0x2  }
0x32: {  	s3 =	sand.u32 $0x4000, s31;
	s1 =	sadd.s32 s1, s30  }
0x33: {  	s0 =	sor.u32 s3, s0;
	s1 =	sshll.u32 s1, $0x11  }
0x34: {  	s0 =	sor.u32 s1, s0  }
0x35: {  	s0 =	sadd.s32 $0x8F2B, s0  }
0x36: {  	[sflag:s0] =	ssyncadd.remote.s32 $0x1  }
0x37: {  	_ =	sfence.sel $0xFFFF  }
0x38: {  	[dreg:$0x0] =	wrdreg $0xFFFFFFFF;
	(pc) =	sbr.abs _section_cstart, $3  }
0x39: {  	[dreg:$0x1] =	wrdreg $0xFFFFFFFF  }
0x3a: {  	_ =	task.clear_ibuf [dreg:s8], $0x2FFFF;
	_ =	strace $0x9FFFFFFF  }
0x3b: {  	(tm) =	ssettm $0x7FFFFFFF  }
tec
execute0_lowered:
.L_overlay_start_1:
0x0: {  	(tag) =	ssettag $0x1  }
0x1: {  	s2 =	rddreg [dreg:$0x0]  }
0x2: {  	s3 =	rddreg [dreg:$0x1]  }
0x3: {  	s0 =	rddreg [dreg:$0x2];
	_ =	strace $0x80000047  }
0x4: {  	s4 =	srdreg.scid;
	s1 =	stileid.u32;
	s6 =	simm.s32 $0x2  }
.Ltmp0:
0x5: {  	s11 =	simm.s32 $0x0;
	p0 =	por $0x0, $0x0;
	(pc) =	sbr.rel .LBB1_1-.Ltmp0, $4  }
0x6: {  	s7 =	simm.s32 $0x1000;
	s12 =	simm.s32 $0x0;
	s5 =	sshll.u32 s4, $0x4  }
0x7: {  	s9 =	simm.s32 $0x0;
	s4 =	simm.s32 $0x1;
	s5 =	sand.u32 $0x10, s5  }
0x8: {  	s8 =	simm.s32 $0x0;
	[sflag:s4] =	ssyncpa.u1 $0x0;
	s5 =	sor.u32 s1, s5  }
0x9: {  	[sflag:s6] =	ssyncpa.u1 $0x0;
	s6 =	simm.s32 $0x800;
	s10 =	smov.u32 s5  }
.LBB1_7:
0xa: {  	s13 =	sadd.s32 $0x10, s9  }
0xb: {  	s11 =	sadd.s32 $0x20, s10;
	s15 =	smov.u32 s10;
	p2 =	sgt.s32 s13, $0x1F  }
0xc: {  	p1 =	slt.u32 s8, $0x2;
	s15 =	smov.u32 @p2 s11  }
0xd: {  	s8 =	sadd.s32 $0x1, s8;
	s13 =	simm.s32 @p2 $0x0;
	p2 =	sgt.s32 s15, $0x1FF  }
0xe: {  	s15 =	smov.u32 @p2 s5;
	p2 =	sne.s32 s8, $0x22  }
.Ltmp1:
0xf: {  	_ = 	snop;
	(pc) =	sbr.rel @!p2 .LBB1_8-.Ltmp1, $4  }
0x10: {  	s14 =	simm.s32 @!p1 $0x2  }
0x11: {  	s12 =	smov.u32 s10;
	_ =	swait.ge @!p1 [sflag:s14], $0x4000  }
0x12: {  	p0 =	por !p0, !p0;
	s11 =	smov.u32 s9;
	[sflag:s14] =	ssyncset.done @!p1 $0x0  }
0x13: {  	s9 =	smov.u32 s13;
	[sflag:s14] =	ssyncadd.s32 @!p1 $0xFFFFC000;
	s10 =	smov.u32 s15  }
.LBB1_1:
0x14: {  	p1 =	sgt.u32 s8, $0x1F  }
0x15: {  	s13 =	sxor.u32 @!p1 $0xFFFFFFFF, s8;
	s14 =	sshll.u32 @!p1 s10, $0xC  }
0x16: {  	s15 =	sshll.u32 @!p1 s9, $0x7;
	s13 =	sshll.u32 @!p1 s13, $0xE;
	s14 =	sadd.s32 @!p1 s2, s14  }
0x17: {  	s13 =	sand.u32 @!p1 $0x4000, s13;
	s14 =	sadd.s32 @!p1 s15, s14;
	s15 =	simm.s32 @!p1 $0x0  }
0x18: {  	[tilespmem:s13], [sflag:$0x1] =	stream.linear.gather @!p1 [hbm4b:s14+s15], $0x4000, $0x38;
	[tilespmem:$0x10000] =	vst v63  }
0x19: {  	p1 =	seq.s32 s8, $0x0  }
0x1a: {  	p2 =	seq.s32 @!p1 s8, $0x21  }
0x1b: {  	p1 =	por p1, p2  }
.Ltmp2:
0x1c: {  	_ = 	snop;
	(pc) =	sbr.rel @p1 .LBB1_7-.Ltmp2, $1  }
0x1d: {  	_ =	sdelay $0x3  }
0x1e: {  	s13 =	simm.s32 $0x1;
	_ =	swait.ge [sflag:s4], $0x4000;
	s16 =	sshll.u32 s8, $0xE  }
0x1f: {  	s13 =	simm.s32 @!p0 $0x0;
	[sflag:s4] =	ssyncset.done $0x0;
	s31 =	sand.u32 $0x4000, s16  }
0x20: {  	s16 =	simm.s32 $0x0;
	s14 =	sshll.u32 s13, $0xE;
	[sflag:s4] =	ssyncadd.s32 $0xFFFFC000  }
0x21: {  	s13 =	sor.u32 $0x8040, s14;
	s15 =	sor.u32 $0x40, s14;
	s14 =	sor.u32 $0x8000, s31  }
.LBB1_3:
0x22: {  	v0 =	vmov s15;
	_ =	sdelay $0x3  }
0x23: {  	s18 =	simm.s32 $0x0  }
0x24: {  	v6 =	vld.idx.msk [tilespmem:v0+s18+$0x30 ss:$0x1], $0xffff  }
0x25: {  	v7 =	vld.idx.msk [tilespmem:v0+s18+$0xFFFFFFC0 ss:$0x1], $0xffff  }
0x26: {  	v5 =	vld.idx.msk [tilespmem:v0+s18+$0xFFFFFFD0 ss:$0x1], $0xffff  }
0x27: {  	v4 =	vld.idx.msk [tilespmem:v0+s18+$0xFFFFFFE0 ss:$0x1], $0xffff  }
0x28: {  	v3 =	vld.idx.msk [tilespmem:v0+s18+$0xFFFFFFF0 ss:$0x1], $0xffff  }
0x29: {  	v1 =	vld.idx.msk [tilespmem:v0+s18+$0x0 ss:$0x1], $0xffff  }
0x2a: {  	v2 =	vld.idx.msk [tilespmem:v0+s18+$0x10 ss:$0x1], $0xffff;
	[tilespmem:s13+$0x30] =	vst v6  }
0x2b: {  	s17 =	simm.s32 $0x80;
	s19 =	simm.s32 $0x400;
	[tilespmem:s13+$0xFFFFFFC0] =	vst v7;
	v6 =	vld.idx.msk [tilespmem:v0+s18+$0x20 ss:$0x1], $0xffff;
	s18 =	smov.u32 s13  }
.LBB1_4:
0x2c: {  	p1 =	sne.s32 s19, $0xE00;
	v7 =	vld.idx.msk [tilespmem:v0+s17+$0x30 ss:$0x1], $0xffff;
	[tilespmem:s18+$0xFFFFFFD0] =	vst v5  }
0x2d: {  	v8 =	vld.idx.msk [tilespmem:v0+s17+$0xFFFFFFC0 ss:$0x1], $0xffff;
	[tilespmem:s18+$0xFFFFFFE0] =	vst v4  }
0x2e: {  	v5 =	vld.idx.msk [tilespmem:v0+s17+$0xFFFFFFD0 ss:$0x1], $0xffff;
	[tilespmem:s18+$0xFFFFFFF0] =	vst v3  }
.Ltmp3:
0x2f: {  	v4 =	vld.idx.msk [tilespmem:v0+s17+$0xFFFFFFE0 ss:$0x1], $0xffff;
	[tilespmem:s18+$0x0] =	vst v1;
	(pc) =	sbr.rel @p1 .LBB1_4-.Ltmp3, $4  }
0x30: {  	v3 =	vld.idx.msk [tilespmem:v0+s17+$0xFFFFFFF0 ss:$0x1], $0xffff;
	[tilespmem:s18+$0x10] =	vst v2  }
0x31: {  	v1 =	vld.idx.msk [tilespmem:v0+s17+$0x0 ss:$0x1], $0xffff;
	[tilespmem:s18+$0x20] =	vst v6;
	s18 =	sadd.s32 $0x800, s18  }
0x32: {  	v2 =	vld.idx.msk [tilespmem:v0+s17+$0x10 ss:$0x1], $0xffff;
	[tilespmem:s18+$0x30] =	vst v7  }
0x33: {  	[tilespmem:s18+$0xFFFFFFC0] =	vst v8;
	v6 =	vld.idx.msk [tilespmem:v0+s17+$0x20 ss:$0x1], $0xffff;
	s17 =	sshra.s32 s19, $0x2;
	s19 =	sadd.s32 $0x200, s19  }
0x34: {  	_ =	sdelay $0x2  }
0x35: {  	[tilespmem:s18+$0xFFFFFFD0] =	vst v5  }
0x36: {  	v56 =	vld.idx.msk [tilespmem:v0+s17+$0x30 ss:$0x1], $0xffff;
	[tilespmem:s18+$0xFFFFFFE0] =	vst v4  }
0x37: {  	v57 =	vld.idx.msk [tilespmem:v0+s17+$0xFFFFFFC0 ss:$0x1], $0xffff;
	[tilespmem:s18+$0xFFFFFFF0] =	vst v3  }
0x38: {  	v58 =	vld.idx.msk [tilespmem:v0+s17+$0xFFFFFFD0 ss:$0x1], $0xffff;
	[tilespmem:s18+$0x0] =	vst v1  }
0x39: {  	v59 =	vld.idx.msk [tilespmem:v0+s17+$0xFFFFFFE0 ss:$0x1], $0xffff;
	[tilespmem:s18+$0x10] =	vst v2  }
0x3a: {  	v60 =	vld.idx.msk [tilespmem:v0+s17+$0xFFFFFFF0 ss:$0x1], $0xffff;
	s31 =	sadd.s32 $0x800, s18;
	[tilespmem:s18+$0x20] =	vst v6  }
0x3b: {  	v61 =	vld.idx.msk [tilespmem:v0+s17+$0x0 ss:$0x1], $0xffff;
	[tilespmem:s31+$0x30] =	vst v56  }
0x3c: {  	v62 =	vld.idx.msk [tilespmem:v0+s17+$0x10 ss:$0x1], $0xffff;
	s16 =	sadd.s32 $0x1, s16;
	[tilespmem:s31+$0xFFFFFFC0] =	vst v57  }
0x3d: {  	v63 =	vld.idx.msk [tilespmem:v0+s17+$0x20 ss:$0x1], $0xffff;
	p1 =	sne.s32 s16, $0x10;
	[tilespmem:s31+$0xFFFFFFD0] =	vst v58  }
.Ltmp4:
0x3e: {  	[tilespmem:s31+$0xFFFFFFE0] =	vst v59;
	(pc) =	sbr.rel @p1 .LBB1_3-.Ltmp4, $4  }
0x3f: {  	[tilespmem:s31+$0xFFFFFFF0] =	vst v60  }
0x40: {  	[tilespmem:s31+$0x0] =	vst v61  }
0x41: {  	[tilespmem:s31+$0x10] =	vst v62  }
0x42: {  	s13 =	sadd.s32 $0x80, s13;
	s15 =	sadd.s32 $0x400, s15;
	[tilespmem:s31+$0x20] =	vst v63  }
.Ltmp5:
0x43: {  	(pc) =	sbr.rel .LBB1_7-.Ltmp5, $4  }
0x44: {  	s12 =	sshll.u32 s12, $0xC;
	s11 =	sshll.u32 s11, $0x4  }
0x45: {  	s11 =	sand.u32 $0x1F0, s11;
	s12 =	sadd.s32 s3, s12  }
0x46: {  	s11 =	sadd.s32 s11, s12  }
0x47: {  	[hbm4b:s11+s6] =	stream.strided.scatter [tilespmem:s14], [sflag:$0x2], $0x4000, s7, s6, $0x38;
	[tilespmem:$0x10000] =	vst v63  }
.LBB1_8:
0x48: {  	_ =	sfence.sel $0x180000  }
0x49: {  	s2 =	simm.s32 $0x1;
	[bflag:$0x0] =	sbarrier.arrive $0xFFFF  }
0x4a: {  	s31 =	simm.s32 $0x2;
	[sflag:s2] =	ssyncpa.u1 $0x1  }
0x4b: {  	[sflag:s31] =	ssyncpa.u1 $0x1  }
0x4c: {  	p0 =	sne.s32 s1, $0x0;
	_ =	strace $0x90000047  }
0x4d: {  	s0 =	sadd.s32 @!p0 $0x100000, s0;
	[bflag:$0x2] =	sbarrier.arrive $0xFFFF  }
0x4e: {  	[sflag:s0] =	ssyncadd.tile.s32 @!p0 $0x1;
	_ =	shalt  }
.Lfunc_end1:
_tile_overlayer_lowered:
.L_overlay_start_2:
0x4f: {  	(tag) =	ssettag $0x2  }
0x50: {  	s0 =	rddreg [dreg:$0x0];
	s2 =	stileid.u32  }
0x51: {  	s1 =	rddreg [dreg:$0x1];
	p0 =	sne.s32 s2, $0x0  }
0x52: {  	s3 =	rddreg [dreg:$0x2];
	[bflag:$0x3] =	sbarrier.arrive $0xFFFF;
	s2 =	simm.s32 @!p0 $0x1C01  }
0x53: {  	[timem:s3], [sflag:s2] =	dma.local @!p0 [hbm:s0], s1  }
0x54: {  	s0 =	simm.s32 @!p0 $0x1  }
0x55: {  	_ =	swait.ge @!p0 [sflag:s0], s1  }
0x56: {  	s1 =	ssub.s32 @!p0 $0x0, s1;
	[sflag:s0] =	ssyncset.done @!p0 $0x0  }
0x57: {  	[sflag:s0] =	ssyncadd.s32 @!p0 s1  }
0x58: {  	[bflag:$0x3] =	sbarrier.arrive $0xFFFF  }
0x59: {  	_ =	shalt  }

</sc_bundles>
